<compile_context>
chip_gen: v7x
topology: tpu7x:2x2x1
jax: 0.10.2.dev20260603
libtpu: 0.0.44.dev20260713+nightly
codegen_flags: <defaults>
</compile_context>

<pallas_src>
import functools

import jax
import jax.numpy as jnp
from jax import lax
from jax.experimental import pallas as pl
from jax.experimental.pallas import tpu as pltpu
from jax.experimental.pallas import tpu_sc as plsc

N = 10000
E = 160000
D = 256
H = 64
K = 16

NW = 32
NODES_W = 320
NPAD = NW * NODES_W
EPW = NODES_W * K
GR = 128
CN = 16
CHE = CN * K
NCH = NODES_W // CN

RB = 5000


def _embed_body(x_ref, qw_ref, kw_ref, qe_ref, ke_ref):
    xb = x_ref[...]
    wq = qw_ref[...]
    wk = kw_ref[...]
    dn = (((1,), (1,)), ((), ()))
    qe_ref[...] = lax.dot_general(xb, wq, dn, preferred_element_type=jnp.float32) * (1.0 / 16.0)
    ke_ref[...] = lax.dot_general(xb, wk, dn, preferred_element_type=jnp.float32) * (1.0 / 16.0)


def _embed(x, q_w, k_w):
    return pl.pallas_call(
        _embed_body,
        grid=(N // RB,),
        in_specs=[
            pl.BlockSpec((RB, D), lambda i: (i, 0)),
            pl.BlockSpec((H, D), lambda i: (0, 0)),
            pl.BlockSpec((H, D), lambda i: (0, 0)),
        ],
        out_specs=[
            pl.BlockSpec((RB, H), lambda i: (i, 0)),
            pl.BlockSpec((RB, H), lambda i: (i, 0)),
        ],
        out_shape=[
            jax.ShapeDtypeStruct((N, H), jnp.float32),
            jax.ShapeDtypeStruct((N, H), jnp.float32),
        ],
    )(x, q_w, k_w)


NB = 2


def _sc_body(qe_hbm, ke_hbm, adj_hbm, out_hbm,
             idxq_v, idxk_v, qrows_v, krows_v, acc_v, qe_sh,
             sq0, sq1, sk0, sk1, so0, so1, ss):
    cid = lax.axis_index("c")
    sid = lax.axis_index("s")
    wid = sid * 2 + cid
    node_base = wid * NODES_W

    TAIL_E = E - (NW - 1) * EPW
    TAIL_NCH = TAIL_E // CHE
    nch = jnp.where(wid == NW - 1, TAIL_NCH, NCH)

    rpt = N // 16
    r0 = sid * rpt
    pltpu.async_copy(qe_hbm.at[pl.ds(r0, rpt)], qe_sh.at[pl.ds(r0, rpt)], ss)

    @pl.when(wid < NW - 1)
    def _():
        pltpu.sync_copy(adj_hbm.at[1, pl.ds(wid * EPW, EPW)], idxq_v)
        pltpu.sync_copy(adj_hbm.at[0, pl.ds(wid * EPW, EPW)], idxk_v)

    @pl.when(wid == NW - 1)
    def _():
        pltpu.sync_copy(adj_hbm.at[1, pl.ds((NW - 1) * EPW, TAIL_E)],
                        idxq_v.at[pl.ds(0, TAIL_E)])
        pltpu.sync_copy(adj_hbm.at[0, pl.ds((NW - 1) * EPW, TAIL_E)],
                        idxk_v.at[pl.ds(0, TAIL_E)])

    sq = (sq0, sq1)
    sk = (sk0, sk1)
    so = (so0, so1)

    def start_gathers(c, b):
        pltpu.async_copy(qe_sh.at[idxq_v.at[pl.ds(c * CHE, CHE)]], qrows_v.at[b], sq[b])
        pltpu.async_copy(ke_hbm.at[idxk_v.at[pl.ds(c * CHE, CHE)]], krows_v.at[b], sk[b])

    def wait_gathers(c, b):
        pltpu.make_async_copy(qe_sh.at[idxq_v.at[pl.ds(c * CHE, CHE)]],
                              qrows_v.at[b], sq[b]).wait()
        pltpu.make_async_copy(ke_hbm.at[idxk_v.at[pl.ds(c * CHE, CHE)]],
                              krows_v.at[b], sk[b]).wait()

    def wait_store(b):
        pltpu.make_async_copy(acc_v.at[b],
                              out_hbm.at[pl.ds(node_base, CN)], so[b]).wait()

    def compute_chunk(c, b):
        def node_body(n, _):
            e0 = n * K
            accs = [jnp.zeros((16,), jnp.float32) for _ in range(4)]
            for j in range(K):
                for v in range(4):
                    accs[v] = accs[v] + (qrows_v[b, e0 + j, pl.ds(16 * v, 16)]
                                         * krows_v[b, e0 + j, pl.ds(16 * v, 16)])
            for v in range(4):
                acc_v[b, n, pl.ds(16 * v, 16)] = accs[v]
            return 0

        pltpu.async_copy(acc_v.at[b],
                         out_hbm.at[pl.ds(node_base + c * CN, CN)], so[b])

    pltpu.async_copy(ke_hbm.at[idxk_v.at[pl.ds(0, CHE)]], krows_v.at[0], sk[0])
    pltpu.make_async_copy(qe_hbm.at[pl.ds(r0, rpt)], qe_sh.at[pl.ds(r0, rpt)], ss).wait()
    plsc.subcore_barrier()
    pltpu.async_copy(qe_sh.at[idxq_v.at[pl.ds(0, CHE)]], qrows_v.at[0], sq[0])

    def iter_body(i, carry):
        for b in range(NB):
            c = NB * i + b

            @pl.when(c + NB - 1 < nch)
            def _():
                start_gathers(c + NB - 1, (b + NB - 1) % NB)

            wait_gathers(c, b)

            @pl.when(i >= 1)
            def _():
                wait_store(b)

            compute_chunk(c, b)
        return carry

    lax.fori_loop(0, nch // NB, iter_body, 0)

    if (E - (NW - 1) * EPW) // CHE % NB:
        @pl.when(wid == NW - 1)
        def _():
            c = TAIL_NCH - 1
            wait_gathers(c, 0)
            wait_store(0)
            compute_chunk(c, 0)

    for b in range(NB):
        wait_store(b)


def _sc_gather_dot(qe, ke, adj):
    mesh = plsc.VectorSubcoreMesh(core_axis_name="c", subcore_axis_name="s")
    fn = pl.kernel(
        _sc_body,
        out_type=jax.ShapeDtypeStruct((NPAD, H), jnp.float32),
        mesh=mesh,
        compiler_params=pltpu.CompilerParams(use_tc_tiling_on_sc=False),
        scratch_types=(
            [
                pltpu.VMEM((EPW,), jnp.int32),
                pltpu.VMEM((EPW,), jnp.int32),
                pltpu.VMEM((NB, CHE, H), jnp.float32),
                pltpu.VMEM((NB, CHE, H), jnp.float32),
                pltpu.VMEM((NB, CN, H), jnp.float32),
                pltpu.VMEM_SHARED((N, H), jnp.float32),
            ]
            + [pltpu.SemaphoreType.DMA] * 7
        ),
    )
    return fn(qe, ke, adj)


def _finish_body(qe_ref, sl_ref, vw_ref, b_ref, out_ref):
    qe = qe_ref[...]
    s = qe * qe + sl_ref[...] * (1.0 / K)
    norm = jnp.sum(s, axis=1, keepdims=True) + 1e-9
    attn = s / norm
    wv = vw_ref[...]
    dn = (((1,), (1,)), ((), ()))
    out_ref[...] = (lax.dot_general(attn, wv, dn, preferred_element_type=jnp.float32)
                    + b_ref[...])


def _finish(qe, sum_local, v_w, bias_b):
    return pl.pallas_call(
        _finish_body,
        grid=(N // RB,),
        in_specs=[
            pl.BlockSpec((RB, H), lambda i: (i, 0)),
            pl.BlockSpec((RB, H), lambda i: (i, 0)),
            pl.BlockSpec((D, H), lambda i: (0, 0)),
            pl.BlockSpec((1, D), lambda i: (0, 0)),
        ],
        out_specs=pl.BlockSpec((RB, D), lambda i: (i, 0)),
        out_shape=jax.ShapeDtypeStruct((N, D), jnp.float32),
    )(qe, sum_local, v_w, bias_b)


def kernel(adj_list, x, q_w, k_w, v_w, bias_b):
    wq = jax.nn.elu(q_w) + 1.0
    wk = jax.nn.elu(k_w) + 1.0
    wv = jax.nn.elu(v_w) + 1.0
    bias = jax.nn.elu(bias_b) + 1.0
    qe, ke = _embed(x, wq, wk)
    sum_local = _sc_gather_dot(qe, ke, adj_list.astype(jnp.int32))
    return _finish(qe, sum_local, wv, bias)

# --- scband reference (transcript-rebuilt; emitter-appended) ---
"""Pipeline reference for scband-bilinear-attention-81638738362875 (READ-ONLY COPY).

The authoritative reference and input builder live on the scoring server;
editing this copy changes nothing except your own understanding.
"""

import jax, jax.numpy as jnp
import numpy as np

N_NODES = 10000
N_EDGES = 160000
D_IN = 256
N_HEADS = 64
D_OUT = 256


def setup_inputs(seed: int = 0) -> dict:
    key = jax.random.key(seed)
    k1, k2, k3, k4, k5, k6 = jax.random.split(key, 6)
    adj_list = jax.random.randint(k1, (2, N_EDGES), 0, N_NODES, dtype=jnp.int64) if jax.config.jax_enable_x64 else jax.random.randint(k1, (2, N_EDGES), 0, N_NODES).astype(jnp.int32)
    x = jax.random.normal(k2, (N_NODES, D_IN), dtype=jnp.float32)
    # learned parameters (match torch init: randn/10 - 2 for NonNegLinear raw weights, zeros for bias)
    q_w = jax.random.normal(k3, (N_HEADS, D_IN), dtype=jnp.float32) / 10.0 - 2.0
    k_w = jax.random.normal(k4, (N_HEADS, D_IN), dtype=jnp.float32) / 10.0 - 2.0
    v_w = jax.random.normal(k5, (D_OUT, N_HEADS), dtype=jnp.float32) / 10.0 - 2.0
    bias_b = jnp.zeros((1, D_OUT), dtype=jnp.float32)
    return {"adj_list": adj_list, "x": x, "q_w": q_w, "k_w": k_w, "v_w": v_w, "bias_b": bias_b}


def reference(adj_list, x, q_w, k_w, v_w, bias_b):
    # NonNeg transforms: elu(w) + 1
    Wq = jax.nn.elu(q_w) + 1.0
    Wk = jax.nn.elu(k_w) + 1.0
    Wv = jax.nn.elu(v_w) + 1.0
    bias = jax.nn.elu(bias_b) + 1.0
    d = x.shape[1]
    scale = d ** 0.5
    # masked_x defaults to x; regional_xs = [] (n_scales = 2)
    q_emb = (x @ Wq.T) / scale          # [N, H]
    k_local_emb = (x @ Wk.T) / scale    # [N, H]
    # ego / intrinsic score
    ego_score = q_emb * q_emb           # [N, H]
    # interactive local score
    qg = jnp.take(q_emb, adj_list[1, :], axis=0)        # [E, H]
    kg = jnp.take(k_local_emb, adj_list[0, :], axis=0)  # [E, H]
    scores = qg * kg                                    # [E, H]
    n = q_emb.shape[0]
    nominal_k = scores.shape[0] // n
    scores = scores.reshape(n, nominal_k, -1)           # [N, k, H]
    scores = jnp.swapaxes(scores, -1, -2)               # [N, H, k]
    scores = scores / nominal_k
    sum_local_score = jnp.sum(scores, axis=-1)          # [N, H]
    sum_score = ego_score + sum_local_score             # [N, H]
    normalization_factor = jnp.sum(sum_score, axis=-1, keepdims=True) + 1e-09
    sum_attn = sum_score / normalization_factor         # [N, H]
    res = (sum_attn @ Wv.T) + bias                      # [N, d_out]
    return res

if __name__ == "__main__":
    import jax
    _d = setup_inputs()
    print(jax.jit(kernel)(*tuple(_d.values())))

</pallas_src>

<mosaic_0001>
#map = affine_map<(d0, d1) -> (0, 0)>
module attributes {stable_mosaic.version = 14 : i64} {
  func.func @_sc_body(%arg0: i32, %arg1: i32, %arg2: memref<10000x64xf32, #tpu.memory_space<hbm>>, %arg3: memref<10000x64xf32, #tpu.memory_space<hbm>>, %arg4: memref<2x160000xi32, #tpu.memory_space<hbm>>, %arg5: memref<10240x64xf32, #tpu.memory_space<hbm>>, %arg6: memref<5120xi32, #tpu.memory_space<vmem>>, %arg7: memref<5120xi32, #tpu.memory_space<vmem>>, %arg8: memref<2x256x64xf32, #tpu.memory_space<vmem>>, %arg9: memref<2x256x64xf32, #tpu.memory_space<vmem>>, %arg10: memref<2x16x64xf32, #tpu.memory_space<vmem>>, %arg11: memref<10000x64xf32, #tpu.memory_space<vmem_shared>>, %arg12: memref<!tpu.dma_semaphore, #tpu.memory_space<semaphore_mem>>, %arg13: memref<!tpu.dma_semaphore, #tpu.memory_space<semaphore_mem>>, %arg14: memref<!tpu.dma_semaphore, #tpu.memory_space<semaphore_mem>>, %arg15: memref<!tpu.dma_semaphore, #tpu.memory_space<semaphore_mem>>, %arg16: memref<!tpu.dma_semaphore, #tpu.memory_space<semaphore_mem>>, %arg17: memref<!tpu.dma_semaphore, #tpu.memory_space<semaphore_mem>>, %arg18: memref<!tpu.dma_semaphore, #tpu.memory_space<semaphore_mem>>) attributes {dimension_semantics = [#tpu.dimension_semantics<core_parallel>, #tpu.dimension_semantics<subcore_parallel>], iteration_bounds = array<i64: 2, 16>, scalar_prefetch = 0 : i64, scratch_operands = 13 : i64, tpu.core_type = #tpu.core_type<sc_vector_subcore>, window_params = [{transform_indices = #map}, {transform_indices = #map}, {transform_indices = #map}, {transform_indices = #map}]} {
    %mul3A = arith.constant 2 : i32
    %mul3A_0 = arith.muli %arg1, %mul3A : i32
    %add3A = arith.addi %mul3A_0, %arg0 : i32
    %mul3A_1 = arith.constant 320 : i32
    %mul3A_2 = arith.muli %add3A, %mul3A_1 : i32
    %eq3A = arith.constant 31 : i32
    %eq3A_3 = arith.cmpi eq, %add3A, %eq3A : i32
    %jit3A = arith.constant 5 : i32
    %jit3A_4 = arith.constant 20 : i32
    %select_n3A = arith.select %eq3A_3, %jit3A, %jit3A_4 : i32
    %mul3A_5 = arith.constant 625 : i32
    %mul3A_6 = arith.muli %arg1, %mul3A_5 : i32
    %dma_start3A = arith.constant 0 : i32
    %dma_start3A_7 = tpu.memref_slice %arg11[%mul3A_6, %dma_start3A] : memref<10000x64xf32, #tpu.memory_space<vmem_shared>> -> memref<625x64xf32, #tpu.memory_space<vmem_shared>>
    %dma_start3A_8 = arith.constant 0 : i32
    %dma_start3A_9 = tpu.memref_slice %arg2[%mul3A_6, %dma_start3A_8] : memref<10000x64xf32, #tpu.memory_space<hbm>> -> memref<625x64xf32, #tpu.memory_space<hbm>>
    tpu.enqueue_dma source(%dma_start3A_9 : memref<625x64xf32, #tpu.memory_space<hbm>>) target(%dma_start3A_7 : memref<625x64xf32, #tpu.memory_space<vmem_shared>>) target_semaphore(%arg18 : memref<!tpu.dma_semaphore, #tpu.memory_space<semaphore_mem>>)
    %lt3A = arith.constant 31 : i32
    %lt3A_10 = arith.cmpi slt, %add3A, %lt3A : i32
    %convert_element_type3A = arith.extui %lt3A_10 : i1 to i32
    %cond3A = arith.constant 0 : i32
    %cond3A_11 = arith.cmpi ne, %convert_element_type3A, %cond3A : i32
    scf.if %cond3A_11 {
      %mul3A_98 = arith.constant 5120 : i32
      %mul3A_99 = arith.muli %add3A, %mul3A_98 : i32
      %run_scoped3A = arith.constant 1 : i32
      "tpu.region"() ({
        %run_scoped3A_103 = tpu.sem_alloc : memref<!tpu.dma_semaphore, #tpu.memory_space<semaphore_mem>>
        %dma_start3A_104 = tpu.memref_slice %arg4[%run_scoped3A, %mul3A_99] : memref<2x160000xi32, #tpu.memory_space<hbm>> -> memref<1x5120xi32, #tpu.memory_space<hbm>>
        %dma_start3A_105 = tpu.memref_squeeze %dma_start3A_104 : memref<1x5120xi32, #tpu.memory_space<hbm>> -> memref<5120xi32, #tpu.memory_space<hbm>>
        %dma_start3A_106 = tpu.memref_slice %arg4[%run_scoped3A, %mul3A_99] : memref<2x160000xi32, #tpu.memory_space<hbm>> -> memref<1x5120xi32, #tpu.memory_space<hbm>>
        %dma_start3A_107 = tpu.memref_squeeze %dma_start3A_106 : memref<1x5120xi32, #tpu.memory_space<hbm>> -> memref<5120xi32, #tpu.memory_space<hbm>>
        tpu.enqueue_dma source(%dma_start3A_107 : memref<5120xi32, #tpu.memory_space<hbm>>) target(%arg6 : memref<5120xi32, #tpu.memory_space<vmem>>) target_semaphore(%run_scoped3A_103 : memref<!tpu.dma_semaphore, #tpu.memory_space<semaphore_mem>>)
        %dma_wait3A_108 = tpu.memref_slice %arg4[%run_scoped3A, %mul3A_99] : memref<2x160000xi32, #tpu.memory_space<hbm>> -> memref<1x5120xi32, #tpu.memory_space<hbm>>
        %dma_wait3A_109 = tpu.memref_squeeze %dma_wait3A_108 : memref<1x5120xi32, #tpu.memory_space<hbm>> -> memref<5120xi32, #tpu.memory_space<hbm>>
        %dma_wait3A_110 = tpu.memref_slice %arg4[%run_scoped3A, %mul3A_99] : memref<2x160000xi32, #tpu.memory_space<hbm>> -> memref<1x5120xi32, #tpu.memory_space<hbm>>
        %dma_wait3A_111 = tpu.memref_squeeze %dma_wait3A_110 : memref<1x5120xi32, #tpu.memory_space<hbm>> -> memref<5120xi32, #tpu.memory_space<hbm>>
        tpu.wait_dma2 semaphore(%run_scoped3A_103 : memref<!tpu.dma_semaphore, #tpu.memory_space<semaphore_mem>>) src(%dma_wait3A_111 : memref<5120xi32, #tpu.memory_space<hbm>>) dst(%arg6 : memref<5120xi32, #tpu.memory_space<vmem>>)
        tpu.yield
      }) : () -> ()
      %mul3A_100 = arith.constant 5120 : i32
      %mul3A_101 = arith.muli %add3A, %mul3A_100 : i32
      %run_scoped3A_102 = arith.constant 0 : i32
      "tpu.region"() ({
        %run_scoped3A_103 = tpu.sem_alloc : memref<!tpu.dma_semaphore, #tpu.memory_space<semaphore_mem>>
        %dma_start3A_104 = tpu.memref_slice %arg4[%run_scoped3A_102, %mul3A_101] : memref<2x160000xi32, #tpu.memory_space<hbm>> -> memref<1x5120xi32, #tpu.memory_space<hbm>>
        %dma_start3A_105 = tpu.memref_squeeze %dma_start3A_104 : memref<1x5120xi32, #tpu.memory_space<hbm>> -> memref<5120xi32, #tpu.memory_space<hbm>>
        %dma_start3A_106 = tpu.memref_slice %arg4[%run_scoped3A_102, %mul3A_101] : memref<2x160000xi32, #tpu.memory_space<hbm>> -> memref<1x5120xi32, #tpu.memory_space<hbm>>
        %dma_start3A_107 = tpu.memref_squeeze %dma_start3A_106 : memref<1x5120xi32, #tpu.memory_space<hbm>> -> memref<5120xi32, #tpu.memory_space<hbm>>
        tpu.enqueue_dma source(%dma_start3A_107 : memref<5120xi32, #tpu.memory_space<hbm>>) target(%arg7 : memref<5120xi32, #tpu.memory_space<vmem>>) target_semaphore(%run_scoped3A_103 : memref<!tpu.dma_semaphore, #tpu.memory_space<semaphore_mem>>)
        %dma_wait3A_108 = tpu.memref_slice %arg4[%run_scoped3A_102, %mul3A_101] : memref<2x160000xi32, #tpu.memory_space<hbm>> -> memref<1x5120xi32, #tpu.memory_space<hbm>>
        %dma_wait3A_109 = tpu.memref_squeeze %dma_wait3A_108 : memref<1x5120xi32, #tpu.memory_space<hbm>> -> memref<5120xi32, #tpu.memory_space<hbm>>
        %dma_wait3A_110 = tpu.memref_slice %arg4[%run_scoped3A_102, %mul3A_101] : memref<2x160000xi32, #tpu.memory_space<hbm>> -> memref<1x5120xi32, #tpu.memory_space<hbm>>
        %dma_wait3A_111 = tpu.memref_squeeze %dma_wait3A_110 : memref<1x5120xi32, #tpu.memory_space<hbm>> -> memref<5120xi32, #tpu.memory_space<hbm>>
        tpu.wait_dma2 semaphore(%run_scoped3A_103 : memref<!tpu.dma_semaphore, #tpu.memory_space<semaphore_mem>>) src(%dma_wait3A_111 : memref<5120xi32, #tpu.memory_space<hbm>>) dst(%arg7 : memref<5120xi32, #tpu.memory_space<vmem>>)
        tpu.yield
      }) : () -> ()
    } else {
    }
    %eq3A_12 = arith.constant 31 : i32
    %eq3A_13 = arith.cmpi eq, %add3A, %eq3A_12 : i32
    %convert_element_type3A_14 = arith.extui %eq3A_13 : i1 to i32
    %cond3A_15 = arith.constant 0 : i32
    %cond3A_16 = arith.cmpi ne, %convert_element_type3A_14, %cond3A_15 : i32
    scf.if %cond3A_16 {
      %run_scoped3A = arith.constant 1 : i32
      "tpu.region"() ({
        %run_scoped3A_99 = tpu.sem_alloc : memref<!tpu.dma_semaphore, #tpu.memory_space<semaphore_mem>>
        %dma_start3A_100 = arith.constant 0 : i32
        %dma_start3A_101 = tpu.memref_slice %arg6[%dma_start3A_100] : memref<5120xi32, #tpu.memory_space<vmem>> -> memref<1280xi32, #tpu.memory_space<vmem>>
        %dma_start3A_102 = arith.constant 158720 : i32
        %dma_start3A_103 = tpu.memref_slice %arg4[%run_scoped3A, %dma_start3A_102] : memref<2x160000xi32, #tpu.memory_space<hbm>> -> memref<1x1280xi32, #tpu.memory_space<hbm>>
        %dma_start3A_104 = tpu.memref_squeeze %dma_start3A_103 : memref<1x1280xi32, #tpu.memory_space<hbm>> -> memref<1280xi32, #tpu.memory_space<hbm>>
        %dma_start3A_105 = arith.constant 0 : i32
        %dma_start3A_106 = tpu.memref_slice %arg6[%dma_start3A_105] : memref<5120xi32, #tpu.memory_space<vmem>> -> memref<1280xi32, #tpu.memory_space<vmem>>
        %dma_start3A_107 = arith.constant 158720 : i32
        %dma_start3A_108 = tpu.memref_slice %arg4[%run_scoped3A, %dma_start3A_107] : memref<2x160000xi32, #tpu.memory_space<hbm>> -> memref<1x1280xi32, #tpu.memory_space<hbm>>
        %dma_start3A_109 = tpu.memref_squeeze %dma_start3A_108 : memref<1x1280xi32, #tpu.memory_space<hbm>> -> memref<1280xi32, #tpu.memory_space<hbm>>
        tpu.enqueue_dma source(%dma_start3A_109 : memref<1280xi32, #tpu.memory_space<hbm>>) target(%dma_start3A_106 : memref<1280xi32, #tpu.memory_space<vmem>>) target_semaphore(%run_scoped3A_99 : memref<!tpu.dma_semaphore, #tpu.memory_space<semaphore_mem>>)
        %dma_wait3A_110 = arith.constant 0 : i32
        %dma_wait3A_111 = tpu.memref_slice %arg6[%dma_wait3A_110] : memref<5120xi32, #tpu.memory_space<vmem>> -> memref<1280xi32, #tpu.memory_space<vmem>>
        %dma_wait3A_112 = arith.constant 158720 : i32
        %dma_wait3A_113 = tpu.memref_slice %arg4[%run_scoped3A, %dma_wait3A_112] : memref<2x160000xi32, #tpu.memory_space<hbm>> -> memref<1x1280xi32, #tpu.memory_space<hbm>>
        %dma_wait3A_114 = tpu.memref_squeeze %dma_wait3A_113 : memref<1x1280xi32, #tpu.memory_space<hbm>> -> memref<1280xi32, #tpu.memory_space<hbm>>
        %dma_wait3A_115 = arith.constant 0 : i32
        %dma_wait3A_116 = tpu.memref_slice %arg6[%dma_wait3A_115] : memref<5120xi32, #tpu.memory_space<vmem>> -> memref<1280xi32, #tpu.memory_space<vmem>>
        %dma_wait3A_117 = arith.constant 158720 : i32
        %dma_wait3A_118 = tpu.memref_slice %arg4[%run_scoped3A, %dma_wait3A_117] : memref<2x160000xi32, #tpu.memory_space<hbm>> -> memref<1x1280xi32, #tpu.memory_space<hbm>>
        %dma_wait3A_119 = tpu.memref_squeeze %dma_wait3A_118 : memref<1x1280xi32, #tpu.memory_space<hbm>> -> memref<1280xi32, #tpu.memory_space<hbm>>
        tpu.wait_dma2 semaphore(%run_scoped3A_99 : memref<!tpu.dma_semaphore, #tpu.memory_space<semaphore_mem>>) src(%dma_wait3A_119 : memref<1280xi32, #tpu.memory_space<hbm>>) dst(%dma_wait3A_116 : memref<1280xi32, #tpu.memory_space<vmem>>)
        tpu.yield
      }) : () -> ()
      %run_scoped3A_98 = arith.constant 0 : i32
      "tpu.region"() ({
        %run_scoped3A_99 = tpu.sem_alloc : memref<!tpu.dma_semaphore, #tpu.memory_space<semaphore_mem>>
        %dma_start3A_100 = arith.constant 0 : i32
        %dma_start3A_101 = tpu.memref_slice %arg7[%dma_start3A_100] : memref<5120xi32, #tpu.memory_space<vmem>> -> memref<1280xi32, #tpu.memory_space<vmem>>
        %dma_start3A_102 = arith.constant 158720 : i32
        %dma_start3A_103 = tpu.memref_slice %arg4[%run_scoped3A_98, %dma_start3A_102] : memref<2x160000xi32, #tpu.memory_space<hbm>> -> memref<1x1280xi32, #tpu.memory_space<hbm>>
        %dma_start3A_104 = tpu.memref_squeeze %dma_start3A_103 : memref<1x1280xi32, #tpu.memory_space<hbm>> -> memref<1280xi32, #tpu.memory_space<hbm>>
        %dma_start3A_105 = arith.constant 0 : i32
        %dma_start3A_106 = tpu.memref_slice %arg7[%dma_start3A_105] : memref<5120xi32, #tpu.memory_space<vmem>> -> memref<1280xi32, #tpu.memory_space<vmem>>
        %dma_start3A_107 = arith.constant 158720 : i32
        %dma_start3A_108 = tpu.memref_slice %arg4[%run_scoped3A_98, %dma_start3A_107] : memref<2x160000xi32, #tpu.memory_space<hbm>> -> memref<1x1280xi32, #tpu.memory_space<hbm>>
        %dma_start3A_109 = tpu.memref_squeeze %dma_start3A_108 : memref<1x1280xi32, #tpu.memory_space<hbm>> -> memref<1280xi32, #tpu.memory_space<hbm>>
        tpu.enqueue_dma source(%dma_start3A_109 : memref<1280xi32, #tpu.memory_space<hbm>>) target(%dma_start3A_106 : memref<1280xi32, #tpu.memory_space<vmem>>) target_semaphore(%run_scoped3A_99 : memref<!tpu.dma_semaphore, #tpu.memory_space<semaphore_mem>>)
        %dma_wait3A_110 = arith.constant 0 : i32
        %dma_wait3A_111 = tpu.memref_slice %arg7[%dma_wait3A_110] : memref<5120xi32, #tpu.memory_space<vmem>> -> memref<1280xi32, #tpu.memory_space<vmem>>
        %dma_wait3A_112 = arith.constant 158720 : i32
        %dma_wait3A_113 = tpu.memref_slice %arg4[%run_scoped3A_98, %dma_wait3A_112] : memref<2x160000xi32, #tpu.memory_space<hbm>> -> memref<1x1280xi32, #tpu.memory_space<hbm>>
        %dma_wait3A_114 = tpu.memref_squeeze %dma_wait3A_113 : memref<1x1280xi32, #tpu.memory_space<hbm>> -> memref<1280xi32, #tpu.memory_space<hbm>>
        %dma_wait3A_115 = arith.constant 0 : i32
        %dma_wait3A_116 = tpu.memref_slice %arg7[%dma_wait3A_115] : memref<5120xi32, #tpu.memory_space<vmem>> -> memref<1280xi32, #tpu.memory_space<vmem>>
        %dma_wait3A_117 = arith.constant 158720 : i32
        %dma_wait3A_118 = tpu.memref_slice %arg4[%run_scoped3A_98, %dma_wait3A_117] : memref<2x160000xi32, #tpu.memory_space<hbm>> -> memref<1x1280xi32, #tpu.memory_space<hbm>>
        %dma_wait3A_119 = tpu.memref_squeeze %dma_wait3A_118 : memref<1x1280xi32, #tpu.memory_space<hbm>> -> memref<1280xi32, #tpu.memory_space<hbm>>
        tpu.wait_dma2 semaphore(%run_scoped3A_99 : memref<!tpu.dma_semaphore, #tpu.memory_space<semaphore_mem>>) src(%dma_wait3A_119 : memref<1280xi32, #tpu.memory_space<hbm>>) dst(%dma_wait3A_116 : memref<1280xi32, #tpu.memory_space<vmem>>)
        tpu.yield
      }) : () -> ()
    } else {
    }
    %dma_start3A_17 = arith.constant 0 : i32
    %dma_start3A_18 = arith.constant 0 : i32
    %dma_start3A_19 = arith.constant 0 : i32
    %dma_start3A_20 = tpu.memref_slice %arg9[%dma_start3A_17, %dma_start3A_18, %dma_start3A_19] : memref<2x256x64xf32, #tpu.memory_space<vmem>> -> memref<1x256x64xf32, #tpu.memory_space<vmem>>
    %dma_start3A_21 = tpu.memref_squeeze %dma_start3A_20 : memref<1x256x64xf32, #tpu.memory_space<vmem>> -> memref<256x64xf32, #tpu.memory_space<vmem>>
    %dma_start3A_22 = arith.constant 0 : i32
    %dma_start3A_23 = tpu.memref_slice %arg7[%dma_start3A_22] : memref<5120xi32, #tpu.memory_space<vmem>> -> memref<256xi32, #tpu.memory_space<vmem>>
    %dma_start3A_24 = arith.constant 0 : i32
    %dma_start3A_25 = arith.constant 0 : i32
    %dma_start3A_26 = tpu.memref_slice %arg3[%dma_start3A_24, %dma_start3A_25] : memref<10000x64xf32, #tpu.memory_space<hbm>> -> memref<10000x64xf32, #tpu.memory_space<hbm>>
    tpu.enqueue_indirect_dma source(%dma_start3A_26 : memref<10000x64xf32, #tpu.memory_space<hbm>>) target(%dma_start3A_21 : memref<256x64xf32, #tpu.memory_space<vmem>>) offsets(%dma_start3A_23 : memref<256xi32, #tpu.memory_space<vmem>>) semaphore(%arg14 : memref<!tpu.dma_semaphore, #tpu.memory_space<semaphore_mem>>)
    %dma_wait3A = arith.constant 0 : i32
    %dma_wait3A_27 = tpu.memref_slice %arg11[%mul3A_6, %dma_wait3A] : memref<10000x64xf32, #tpu.memory_space<vmem_shared>> -> memref<625x64xf32, #tpu.memory_space<vmem_shared>>
    %dma_wait3A_28 = arith.constant 0 : i32
    %dma_wait3A_29 = tpu.memref_slice %arg2[%mul3A_6, %dma_wait3A_28] : memref<10000x64xf32, #tpu.memory_space<hbm>> -> memref<625x64xf32, #tpu.memory_space<hbm>>
    tpu.wait_dma2 semaphore(%arg18 : memref<!tpu.dma_semaphore, #tpu.memory_space<semaphore_mem>>) src(%dma_wait3A_29 : memref<625x64xf32, #tpu.memory_space<hbm>>) dst(%dma_wait3A_27 : memref<625x64xf32, #tpu.memory_space<vmem_shared>>)
    %barrier3A = arith.constant 0 : index
    tpu.barrier barrier_id(%barrier3A)
    %dma_start3A_30 = arith.constant 0 : i32
    %dma_start3A_31 = arith.constant 0 : i32
    %dma_start3A_32 = arith.constant 0 : i32
    %dma_start3A_33 = tpu.memref_slice %arg8[%dma_start3A_30, %dma_start3A_31, %dma_start3A_32] : memref<2x256x64xf32, #tpu.memory_space<vmem>> -> memref<1x256x64xf32, #tpu.memory_space<vmem>>
    %dma_start3A_34 = tpu.memref_squeeze %dma_start3A_33 : memref<1x256x64xf32, #tpu.memory_space<vmem>> -> memref<256x64xf32, #tpu.memory_space<vmem>>
    %dma_start3A_35 = arith.constant 0 : i32
    %dma_start3A_36 = tpu.memref_slice %arg6[%dma_start3A_35] : memref<5120xi32, #tpu.memory_space<vmem>> -> memref<256xi32, #tpu.memory_space<vmem>>
    %dma_start3A_37 = arith.constant 0 : i32
    %dma_start3A_38 = arith.constant 0 : i32
    %dma_start3A_39 = tpu.memref_slice %arg11[%dma_start3A_37, %dma_start3A_38] : memref<10000x64xf32, #tpu.memory_space<vmem_shared>> -> memref<10000x64xf32, #tpu.memory_space<vmem_shared>>
    tpu.enqueue_indirect_dma source(%dma_start3A_39 : memref<10000x64xf32, #tpu.memory_space<vmem_shared>>) target(%dma_start3A_34 : memref<256x64xf32, #tpu.memory_space<vmem>>) offsets(%dma_start3A_36 : memref<256xi32, #tpu.memory_space<vmem>>) semaphore(%arg12 : memref<!tpu.dma_semaphore, #tpu.memory_space<semaphore_mem>>)
    %jit3A_40 = arith.constant 2 : i32
    %div3A = arith.divsi %select_n3A, %jit3A_40 : i32
    %sign3A = arith.constant 0 : i32
    %sign3A_41 = arith.cmpi sgt, %select_n3A, %sign3A : i32
    %sign3A_42 = arith.extui %sign3A_41 : i1 to i32
    %sign3A_43 = arith.constant 0 : i32
    %sign3A_44 = arith.cmpi slt, %select_n3A, %sign3A_43 : i32
    %sign3A_45 = arith.extui %sign3A_44 : i1 to i32
    %sign3A_46 = arith.subi %sign3A_42, %sign3A_45 : i32
    %sign3A_47 = arith.constant 0 : i32
    %sign3A_48 = arith.cmpi sgt, %jit3A_40, %sign3A_47 : i32
    %sign3A_49 = arith.extui %sign3A_48 : i1 to i32
    %sign3A_50 = arith.constant 0 : i32
    %sign3A_51 = arith.cmpi slt, %jit3A_40, %sign3A_50 : i32
    %sign3A_52 = arith.extui %sign3A_51 : i1 to i32
    %sign3A_53 = arith.subi %sign3A_49, %sign3A_52 : i32
    %ne3A = arith.cmpi ne, %sign3A_46, %sign3A_53 : i32
    %rem3A = arith.remsi %select_n3A, %jit3A_40 : i32
    %ne3A_54 = arith.constant 0 : i32
    %ne3A_55 = arith.cmpi ne, %rem3A, %ne3A_54 : i32
    %and3A = arith.andi %ne3A, %ne3A_55 : i1
    %sub3A = arith.constant 1 : i32
    %sub3A_56 = arith.subi %div3A, %sub3A : i32
    %select_n3A_57 = arith.select %and3A, %sub3A_56, %div3A : i32
    %while3A = arith.constant 0 : i32
    %while3A_58 = arith.constant 0 : i32
    %while3A_59 = arith.subi %select_n3A_57, %while3A_58 : i32
    %while3A_60 = arith.addi %while3A_58, %while3A_59 : i32
    %while3A_61 = arith.constant 1 : i32
    %while3A_62 = arith.divsi %while3A_59, %while3A_61 : i32
    %while3A_63 = arith.muli %while3A_62, %while3A_61 : i32
    %while3A_64 = arith.addi %while3A_58, %while3A_63 : i32
    %while3A_65 = arith.constant 1 : i32
    scf.for %while3A_98 = %while3A_58 to %while3A_64 step %while3A_65  : i32 {
      %mul3A_99 = arith.constant 2 : i32
      %mul3A_100 = arith.muli %mul3A_99, %while3A_98 : i32
      %add3A_101 = arith.constant 0 : i32
      %add3A_102 = arith.addi %mul3A_100, %add3A_101 : i32
      %add3A_103 = arith.constant 2 : i32
      %add3A_104 = arith.addi %add3A_102, %add3A_103 : i32
      %sub3A_105 = arith.constant 1 : i32
      %sub3A_106 = arith.subi %add3A_104, %sub3A_105 : i32
      %lt3A_107 = arith.cmpi slt, %sub3A_106, %select_n3A : i32
      %convert_element_type3A_108 = arith.extui %lt3A_107 : i1 to i32
      %cond3A_109 = arith.constant 0 : i32
      %cond3A_110 = arith.cmpi ne, %convert_element_type3A_108, %cond3A_109 : i32
      scf.if %cond3A_110 {
        %add3A_208 = arith.constant 2 : i32
        %add3A_209 = arith.addi %add3A_102, %add3A_208 : i32
        %sub3A_210 = arith.constant 1 : i32
        %sub3A_211 = arith.subi %add3A_209, %sub3A_210 : i32
        %mul3A_212 = arith.constant 256 : i32
        %mul3A_213 = arith.muli %sub3A_211, %mul3A_212 : i32
        %dma_start3A_214 = arith.constant 1 : i32
        %dma_start3A_215 = arith.constant 0 : i32
        %dma_start3A_216 = arith.constant 0 : i32
        %dma_start3A_217 = tpu.memref_slice %arg8[%dma_start3A_214, %dma_start3A_215, %dma_start3A_216] : memref<2x256x64xf32, #tpu.memory_space<vmem>> -> memref<1x256x64xf32, #tpu.memory_space<vmem>>
        %dma_start3A_218 = tpu.memref_squeeze %dma_start3A_217 : memref<1x256x64xf32, #tpu.memory_space<vmem>> -> memref<256x64xf32, #tpu.memory_space<vmem>>
        %dma_start3A_219 = tpu.memref_slice %arg6[%mul3A_213] : memref<5120xi32, #tpu.memory_space<vmem>> -> memref<256xi32, #tpu.memory_space<vmem>>
        %dma_start3A_220 = arith.constant 0 : i32
        %dma_start3A_221 = arith.constant 0 : i32
        %dma_start3A_222 = tpu.memref_slice %arg11[%dma_start3A_220, %dma_start3A_221] : memref<10000x64xf32, #tpu.memory_space<vmem_shared>> -> memref<10000x64xf32, #tpu.memory_space<vmem_shared>>
        tpu.enqueue_indirect_dma source(%dma_start3A_222 : memref<10000x64xf32, #tpu.memory_space<vmem_shared>>) target(%dma_start3A_218 : memref<256x64xf32, #tpu.memory_space<vmem>>) offsets(%dma_start3A_219 : memref<256xi32, #tpu.memory_space<vmem>>) semaphore(%arg13 : memref<!tpu.dma_semaphore, #tpu.memory_space<semaphore_mem>>)
        %mul3A_223 = arith.constant 256 : i32
        %mul3A_224 = arith.muli %sub3A_211, %mul3A_223 : i32
        %dma_start3A_225 = arith.constant 1 : i32
        %dma_start3A_226 = arith.constant 0 : i32
        %dma_start3A_227 = arith.constant 0 : i32
        %dma_start3A_228 = tpu.memref_slice %arg9[%dma_start3A_225, %dma_start3A_226, %dma_start3A_227] : memref<2x256x64xf32, #tpu.memory_space<vmem>> -> memref<1x256x64xf32, #tpu.memory_space<vmem>>
        %dma_start3A_229 = tpu.memref_squeeze %dma_start3A_228 : memref<1x256x64xf32, #tpu.memory_space<vmem>> -> memref<256x64xf32, #tpu.memory_space<vmem>>
        %dma_start3A_230 = tpu.memref_slice %arg7[%mul3A_224] : memref<5120xi32, #tpu.memory_space<vmem>> -> memref<256xi32, #tpu.memory_space<vmem>>
        %dma_start3A_231 = arith.constant 0 : i32
        %dma_start3A_232 = arith.constant 0 : i32
        %dma_start3A_233 = tpu.memref_slice %arg3[%dma_start3A_231, %dma_start3A_232] : memref<10000x64xf32, #tpu.memory_space<hbm>> -> memref<10000x64xf32, #tpu.memory_space<hbm>>
        tpu.enqueue_indirect_dma source(%dma_start3A_233 : memref<10000x64xf32, #tpu.memory_space<hbm>>) target(%dma_start3A_229 : memref<256x64xf32, #tpu.memory_space<vmem>>) offsets(%dma_start3A_230 : memref<256xi32, #tpu.memory_space<vmem>>) semaphore(%arg15 : memref<!tpu.dma_semaphore, #tpu.memory_space<semaphore_mem>>)
      } else {
      }
      %mul3A_111 = arith.constant 256 : i32
      %mul3A_112 = arith.muli %add3A_102, %mul3A_111 : i32
      %dma_wait3A_113 = arith.constant 0 : i32
      %dma_wait3A_114 = arith.constant 0 : i32
      %dma_wait3A_115 = arith.constant 0 : i32
      %dma_wait3A_116 = tpu.memref_slice %arg8[%dma_wait3A_113, %dma_wait3A_114, %dma_wait3A_115] : memref<2x256x64xf32, #tpu.memory_space<vmem>> -> memref<1x256x64xf32, #tpu.memory_space<vmem>>
      %dma_wait3A_117 = tpu.memref_squeeze %dma_wait3A_116 : memref<1x256x64xf32, #tpu.memory_space<vmem>> -> memref<256x64xf32, #tpu.memory_space<vmem>>
      %dma_wait3A_118 = tpu.memref_slice %arg6[%mul3A_112] : memref<5120xi32, #tpu.memory_space<vmem>> -> memref<256xi32, #tpu.memory_space<vmem>>
      %dma_wait3A_119 = arith.constant 0 : i32
      %dma_wait3A_120 = arith.constant 0 : i32
      %dma_wait3A_121 = tpu.memref_slice %arg11[%dma_wait3A_119, %dma_wait3A_120] : memref<10000x64xf32, #tpu.memory_space<vmem_shared>> -> memref<10000x64xf32, #tpu.memory_space<vmem_shared>>
      tpu.wait_indirect_dma semaphore(%arg12 : memref<!tpu.dma_semaphore, #tpu.memory_space<semaphore_mem>>) src(%dma_wait3A_121 : memref<10000x64xf32, #tpu.memory_space<vmem_shared>>) dst(%dma_wait3A_117 : memref<256x64xf32, #tpu.memory_space<vmem>>)
      %mul3A_122 = arith.constant 256 : i32
      %mul3A_123 = arith.muli %add3A_102, %mul3A_122 : i32
      %dma_wait3A_124 = arith.constant 0 : i32
      %dma_wait3A_125 = arith.constant 0 : i32
      %dma_wait3A_126 = arith.constant 0 : i32
      %dma_wait3A_127 = tpu.memref_slice %arg9[%dma_wait3A_124, %dma_wait3A_125, %dma_wait3A_126] : memref<2x256x64xf32, #tpu.memory_space<vmem>> -> memref<1x256x64xf32, #tpu.memory_space<vmem>>
      %dma_wait3A_128 = tpu.memref_squeeze %dma_wait3A_127 : memref<1x256x64xf32, #tpu.memory_space<vmem>> -> memref<256x64xf32, #tpu.memory_space<vmem>>
      %dma_wait3A_129 = tpu.memref_slice %arg7[%mul3A_123] : memref<5120xi32, #tpu.memory_space<vmem>> -> memref<256xi32, #tpu.memory_space<vmem>>
      %dma_wait3A_130 = arith.constant 0 : i32
      %dma_wait3A_131 = arith.constant 0 : i32
      %dma_wait3A_132 = tpu.memref_slice %arg3[%dma_wait3A_130, %dma_wait3A_131] : memref<10000x64xf32, #tpu.memory_space<hbm>> -> memref<10000x64xf32, #tpu.memory_space<hbm>>
      tpu.wait_indirect_dma semaphore(%arg14 : memref<!tpu.dma_semaphore, #tpu.memory_space<semaphore_mem>>) src(%dma_wait3A_132 : memref<10000x64xf32, #tpu.memory_space<hbm>>) dst(%dma_wait3A_128 : memref<256x64xf32, #tpu.memory_space<vmem>>)
      %ge3A = arith.constant 1 : i32
      %ge3A_133 = arith.cmpi sge, %while3A_98, %ge3A : i32
      %convert_element_type3A_134 = arith.extui %ge3A_133 : i1 to i32
      %cond3A_135 = arith.constant 0 : i32
      %cond3A_136 = arith.cmpi ne, %convert_element_type3A_134, %cond3A_135 : i32
      scf.if %cond3A_136 {
        %dma_wait3A_208 = arith.constant 0 : i32
        %dma_wait3A_209 = arith.constant 0 : i32
        %dma_wait3A_210 = arith.constant 0 : i32
        %dma_wait3A_211 = tpu.memref_slice %arg10[%dma_wait3A_208, %dma_wait3A_209, %dma_wait3A_210] : memref<2x16x64xf32, #tpu.memory_space<vmem>> -> memref<1x16x64xf32, #tpu.memory_space<vmem>>
        %dma_wait3A_212 = tpu.memref_squeeze %dma_wait3A_211 : memref<1x16x64xf32, #tpu.memory_space<vmem>> -> memref<16x64xf32, #tpu.memory_space<vmem>>
        %dma_wait3A_213 = arith.constant 0 : i32
        %dma_wait3A_214 = tpu.memref_slice %arg5[%mul3A_2, %dma_wait3A_213] : memref<10240x64xf32, #tpu.memory_space<hbm>> -> memref<16x64xf32, #tpu.memory_space<hbm>>
        %dma_wait3A_215 = arith.constant 0 : i32
        %dma_wait3A_216 = tpu.memref_slice %arg5[%mul3A_2, %dma_wait3A_215] : memref<10240x64xf32, #tpu.memory_space<hbm>> -> memref<16x64xf32, #tpu.memory_space<hbm>>
        %dma_wait3A_217 = arith.constant 0 : i32
        %dma_wait3A_218 = arith.constant 0 : i32
        %dma_wait3A_219 = tpu.memref_slice %arg10[%dma_wait3A_208, %dma_wait3A_217, %dma_wait3A_218] : memref<2x16x64xf32, #tpu.memory_space<vmem>> -> memref<1x16x64xf32, #tpu.memory_space<vmem>>
        %dma_wait3A_220 = tpu.memref_squeeze %dma_wait3A_219 : memref<1x16x64xf32, #tpu.memory_space<vmem>> -> memref<16x64xf32, #tpu.memory_space<vmem>>
        tpu.wait_dma2 semaphore(%arg16 : memref<!tpu.dma_semaphore, #tpu.memory_space<semaphore_mem>>) src(%dma_wait3A_220 : memref<16x64xf32, #tpu.memory_space<vmem>>) dst(%dma_wait3A_216 : memref<16x64xf32, #tpu.memory_space<hbm>>)
      } else {
      }
      %mul3A_137 = arith.constant 16 : i32
      %mul3A_138 = arith.muli %add3A_102, %mul3A_137 : i32
      %add3A_139 = arith.addi %mul3A_2, %mul3A_138 : i32
      %dma_start3A_140 = arith.constant 0 : i32
      %dma_start3A_141 = arith.constant 0 : i32
      %dma_start3A_142 = arith.constant 0 : i32
      %dma_start3A_143 = tpu.memref_slice %arg10[%dma_start3A_140, %dma_start3A_141, %dma_start3A_142] : memref<2x16x64xf32, #tpu.memory_space<vmem>> -> memref<1x16x64xf32, #tpu.memory_space<vmem>>
      %dma_start3A_144 = tpu.memref_squeeze %dma_start3A_143 : memref<1x16x64xf32, #tpu.memory_space<vmem>> -> memref<16x64xf32, #tpu.memory_space<vmem>>
      %dma_start3A_145 = arith.constant 0 : i32
      %dma_start3A_146 = tpu.memref_slice %arg5[%add3A_139, %dma_start3A_145] : memref<10240x64xf32, #tpu.memory_space<hbm>> -> memref<16x64xf32, #tpu.memory_space<hbm>>
      %dma_start3A_147 = arith.constant 0 : i32
      %dma_start3A_148 = tpu.memref_slice %arg5[%add3A_139, %dma_start3A_147] : memref<10240x64xf32, #tpu.memory_space<hbm>> -> memref<16x64xf32, #tpu.memory_space<hbm>>
      %dma_start3A_149 = arith.constant 0 : i32
      %dma_start3A_150 = arith.constant 0 : i32
      %dma_start3A_151 = tpu.memref_slice %arg10[%dma_start3A_140, %dma_start3A_149, %dma_start3A_150] : memref<2x16x64xf32, #tpu.memory_space<vmem>> -> memref<1x16x64xf32, #tpu.memory_space<vmem>>
      %dma_start3A_152 = tpu.memref_squeeze %dma_start3A_151 : memref<1x16x64xf32, #tpu.memory_space<vmem>> -> memref<16x64xf32, #tpu.memory_space<vmem>>
      tpu.enqueue_dma source(%dma_start3A_152 : memref<16x64xf32, #tpu.memory_space<vmem>>) target(%dma_start3A_148 : memref<16x64xf32, #tpu.memory_space<hbm>>) target_semaphore(%arg16 : memref<!tpu.dma_semaphore, #tpu.memory_space<semaphore_mem>>)
      %mul3A_153 = arith.constant 2 : i32
      %mul3A_154 = arith.muli %mul3A_153, %while3A_98 : i32
      %add3A_155 = arith.constant 1 : i32
      %add3A_156 = arith.addi %mul3A_154, %add3A_155 : i32
      %add3A_157 = arith.constant 2 : i32
      %add3A_158 = arith.addi %add3A_156, %add3A_157 : i32
      %sub3A_159 = arith.constant 1 : i32
      %sub3A_160 = arith.subi %add3A_158, %sub3A_159 : i32
      %lt3A_161 = arith.cmpi slt, %sub3A_160, %select_n3A : i32
      %convert_element_type3A_162 = arith.extui %lt3A_161 : i1 to i32
      %cond3A_163 = arith.constant 0 : i32
      %cond3A_164 = arith.cmpi ne, %convert_element_type3A_162, %cond3A_163 : i32
      scf.if %cond3A_164 {
        %add3A_208 = arith.constant 2 : i32
        %add3A_209 = arith.addi %add3A_156, %add3A_208 : i32
        %sub3A_210 = arith.constant 1 : i32
        %sub3A_211 = arith.subi %add3A_209, %sub3A_210 : i32
        %mul3A_212 = arith.constant 256 : i32
        %mul3A_213 = arith.muli %sub3A_211, %mul3A_212 : i32
        %dma_start3A_214 = arith.constant 0 : i32
        %dma_start3A_215 = arith.constant 0 : i32
        %dma_start3A_216 = arith.constant 0 : i32
        %dma_start3A_217 = tpu.memref_slice %arg8[%dma_start3A_214, %dma_start3A_215, %dma_start3A_216] : memref<2x256x64xf32, #tpu.memory_space<vmem>> -> memref<1x256x64xf32, #tpu.memory_space<vmem>>
        %dma_start3A_218 = tpu.memref_squeeze %dma_start3A_217 : memref<1x256x64xf32, #tpu.memory_space<vmem>> -> memref<256x64xf32, #tpu.memory_space<vmem>>
        %dma_start3A_219 = tpu.memref_slice %arg6[%mul3A_213] : memref<5120xi32, #tpu.memory_space<vmem>> -> memref<256xi32, #tpu.memory_space<vmem>>
        %dma_start3A_220 = arith.constant 0 : i32
        %dma_start3A_221 = arith.constant 0 : i32
        %dma_start3A_222 = tpu.memref_slice %arg11[%dma_start3A_220, %dma_start3A_221] : memref<10000x64xf32, #tpu.memory_space<vmem_shared>> -> memref<10000x64xf32, #tpu.memory_space<vmem_shared>>
        tpu.enqueue_indirect_dma source(%dma_start3A_222 : memref<10000x64xf32, #tpu.memory_space<vmem_shared>>) target(%dma_start3A_218 : memref<256x64xf32, #tpu.memory_space<vmem>>) offsets(%dma_start3A_219 : memref<256xi32, #tpu.memory_space<vmem>>) semaphore(%arg12 : memref<!tpu.dma_semaphore, #tpu.memory_space<semaphore_mem>>)
        %mul3A_223 = arith.constant 256 : i32
        %mul3A_224 = arith.muli %sub3A_211, %mul3A_223 : i32
        %dma_start3A_225 = arith.constant 0 : i32
        %dma_start3A_226 = arith.constant 0 : i32
        %dma_start3A_227 = arith.constant 0 : i32
        %dma_start3A_228 = tpu.memref_slice %arg9[%dma_start3A_225, %dma_start3A_226, %dma_start3A_227] : memref<2x256x64xf32, #tpu.memory_space<vmem>> -> memref<1x256x64xf32, #tpu.memory_space<vmem>>
        %dma_start3A_229 = tpu.memref_squeeze %dma_start3A_228 : memref<1x256x64xf32, #tpu.memory_space<vmem>> -> memref<256x64xf32, #tpu.memory_space<vmem>>
        %dma_start3A_230 = tpu.memref_slice %arg7[%mul3A_224] : memref<5120xi32, #tpu.memory_space<vmem>> -> memref<256xi32, #tpu.memory_space<vmem>>
        %dma_start3A_231 = arith.constant 0 : i32
        %dma_start3A_232 = arith.constant 0 : i32
        %dma_start3A_233 = tpu.memref_slice %arg3[%dma_start3A_231, %dma_start3A_232] : memref<10000x64xf32, #tpu.memory_space<hbm>> -> memref<10000x64xf32, #tpu.memory_space<hbm>>
        tpu.enqueue_indirect_dma source(%dma_start3A_233 : memref<10000x64xf32, #tpu.memory_space<hbm>>) target(%dma_start3A_229 : memref<256x64xf32, #tpu.memory_space<vmem>>) offsets(%dma_start3A_230 : memref<256xi32, #tpu.memory_space<vmem>>) semaphore(%arg14 : memref<!tpu.dma_semaphore, #tpu.memory_space<semaphore_mem>>)
      } else {
      }
      %mul3A_165 = arith.constant 256 : i32
      %mul3A_166 = arith.muli %add3A_156, %mul3A_165 : i32
      %dma_wait3A_167 = arith.constant 1 : i32
      %dma_wait3A_168 = arith.constant 0 : i32
      %dma_wait3A_169 = arith.constant 0 : i32
      %dma_wait3A_170 = tpu.memref_slice %arg8[%dma_wait3A_167, %dma_wait3A_168, %dma_wait3A_169] : memref<2x256x64xf32, #tpu.memory_space<vmem>> -> memref<1x256x64xf32, #tpu.memory_space<vmem>>
      %dma_wait3A_171 = tpu.memref_squeeze %dma_wait3A_170 : memref<1x256x64xf32, #tpu.memory_space<vmem>> -> memref<256x64xf32, #tpu.memory_space<vmem>>
      %dma_wait3A_172 = tpu.memref_slice %arg6[%mul3A_166] : memref<5120xi32, #tpu.memory_space<vmem>> -> memref<256xi32, #tpu.memory_space<vmem>>
      %dma_wait3A_173 = arith.constant 0 : i32
      %dma_wait3A_174 = arith.constant 0 : i32
      %dma_wait3A_175 = tpu.memref_slice %arg11[%dma_wait3A_173, %dma_wait3A_174] : memref<10000x64xf32, #tpu.memory_space<vmem_shared>> -> memref<10000x64xf32, #tpu.memory_space<vmem_shared>>
      tpu.wait_indirect_dma semaphore(%arg13 : memref<!tpu.dma_semaphore, #tpu.memory_space<semaphore_mem>>) src(%dma_wait3A_175 : memref<10000x64xf32, #tpu.memory_space<vmem_shared>>) dst(%dma_wait3A_171 : memref<256x64xf32, #tpu.memory_space<vmem>>)
      %mul3A_176 = arith.constant 256 : i32
      %mul3A_177 = arith.muli %add3A_156, %mul3A_176 : i32
      %dma_wait3A_178 = arith.constant 1 : i32
      %dma_wait3A_179 = arith.constant 0 : i32
      %dma_wait3A_180 = arith.constant 0 : i32
      %dma_wait3A_181 = tpu.memref_slice %arg9[%dma_wait3A_178, %dma_wait3A_179, %dma_wait3A_180] : memref<2x256x64xf32, #tpu.memory_space<vmem>> -> memref<1x256x64xf32, #tpu.memory_space<vmem>>
      %dma_wait3A_182 = tpu.memref_squeeze %dma_wait3A_181 : memref<1x256x64xf32, #tpu.memory_space<vmem>> -> memref<256x64xf32, #tpu.memory_space<vmem>>
      %dma_wait3A_183 = tpu.memref_slice %arg7[%mul3A_177] : memref<5120xi32, #tpu.memory_space<vmem>> -> memref<256xi32, #tpu.memory_space<vmem>>
      %dma_wait3A_184 = arith.constant 0 : i32
      %dma_wait3A_185 = arith.constant 0 : i32
      %dma_wait3A_186 = tpu.memref_slice %arg3[%dma_wait3A_184, %dma_wait3A_185] : memref<10000x64xf32, #tpu.memory_space<hbm>> -> memref<10000x64xf32, #tpu.memory_space<hbm>>
      tpu.wait_indirect_dma semaphore(%arg15 : memref<!tpu.dma_semaphore, #tpu.memory_space<semaphore_mem>>) src(%dma_wait3A_186 : memref<10000x64xf32, #tpu.memory_space<hbm>>) dst(%dma_wait3A_182 : memref<256x64xf32, #tpu.memory_space<vmem>>)
      %ge3A_187 = arith.constant 1 : i32
      %ge3A_188 = arith.cmpi sge, %while3A_98, %ge3A_187 : i32
      %convert_element_type3A_189 = arith.extui %ge3A_188 : i1 to i32
      %cond3A_190 = arith.constant 0 : i32
      %cond3A_191 = arith.cmpi ne, %convert_element_type3A_189, %cond3A_190 : i32
      scf.if %cond3A_191 {
        %dma_wait3A_208 = arith.constant 1 : i32
        %dma_wait3A_209 = arith.constant 0 : i32
        %dma_wait3A_210 = arith.constant 0 : i32
        %dma_wait3A_211 = tpu.memref_slice %arg10[%dma_wait3A_208, %dma_wait3A_209, %dma_wait3A_210] : memref<2x16x64xf32, #tpu.memory_space<vmem>> -> memref<1x16x64xf32, #tpu.memory_space<vmem>>
        %dma_wait3A_212 = tpu.memref_squeeze %dma_wait3A_211 : memref<1x16x64xf32, #tpu.memory_space<vmem>> -> memref<16x64xf32, #tpu.memory_space<vmem>>
        %dma_wait3A_213 = arith.constant 0 : i32
        %dma_wait3A_214 = tpu.memref_slice %arg5[%mul3A_2, %dma_wait3A_213] : memref<10240x64xf32, #tpu.memory_space<hbm>> -> memref<16x64xf32, #tpu.memory_space<hbm>>
        %dma_wait3A_215 = arith.constant 0 : i32
        %dma_wait3A_216 = tpu.memref_slice %arg5[%mul3A_2, %dma_wait3A_215] : memref<10240x64xf32, #tpu.memory_space<hbm>> -> memref<16x64xf32, #tpu.memory_space<hbm>>
        %dma_wait3A_217 = arith.constant 0 : i32
        %dma_wait3A_218 = arith.constant 0 : i32
        %dma_wait3A_219 = tpu.memref_slice %arg10[%dma_wait3A_208, %dma_wait3A_217, %dma_wait3A_218] : memref<2x16x64xf32, #tpu.memory_space<vmem>> -> memref<1x16x64xf32, #tpu.memory_space<vmem>>
        %dma_wait3A_220 = tpu.memref_squeeze %dma_wait3A_219 : memref<1x16x64xf32, #tpu.memory_space<vmem>> -> memref<16x64xf32, #tpu.memory_space<vmem>>
        tpu.wait_dma2 semaphore(%arg17 : memref<!tpu.dma_semaphore, #tpu.memory_space<semaphore_mem>>) src(%dma_wait3A_220 : memref<16x64xf32, #tpu.memory_space<vmem>>) dst(%dma_wait3A_216 : memref<16x64xf32, #tpu.memory_space<hbm>>)
      } else {
      }
      %mul3A_192 = arith.constant 16 : i32
      %mul3A_193 = arith.muli %add3A_156, %mul3A_192 : i32
      %add3A_194 = arith.addi %mul3A_2, %mul3A_193 : i32
      %dma_start3A_195 = arith.constant 1 : i32
      %dma_start3A_196 = arith.constant 0 : i32
      %dma_start3A_197 = arith.constant 0 : i32
      %dma_start3A_198 = tpu.memref_slice %arg10[%dma_start3A_195, %dma_start3A_196, %dma_start3A_197] : memref<2x16x64xf32, #tpu.memory_space<vmem>> -> memref<1x16x64xf32, #tpu.memory_space<vmem>>
      %dma_start3A_199 = tpu.memref_squeeze %dma_start3A_198 : memref<1x16x64xf32, #tpu.memory_space<vmem>> -> memref<16x64xf32, #tpu.memory_space<vmem>>
      %dma_start3A_200 = arith.constant 0 : i32
      %dma_start3A_201 = tpu.memref_slice %arg5[%add3A_194, %dma_start3A_200] : memref<10240x64xf32, #tpu.memory_space<hbm>> -> memref<16x64xf32, #tpu.memory_space<hbm>>
      %dma_start3A_202 = arith.constant 0 : i32
      %dma_start3A_203 = tpu.memref_slice %arg5[%add3A_194, %dma_start3A_202] : memref<10240x64xf32, #tpu.memory_space<hbm>> -> memref<16x64xf32, #tpu.memory_space<hbm>>
      %dma_start3A_204 = arith.constant 0 : i32
      %dma_start3A_205 = arith.constant 0 : i32
      %dma_start3A_206 = tpu.memref_slice %arg10[%dma_start3A_195, %dma_start3A_204, %dma_start3A_205] : memref<2x16x64xf32, #tpu.memory_space<vmem>> -> memref<1x16x64xf32, #tpu.memory_space<vmem>>
      %dma_start3A_207 = tpu.memref_squeeze %dma_start3A_206 : memref<1x16x64xf32, #tpu.memory_space<vmem>> -> memref<16x64xf32, #tpu.memory_space<vmem>>
      tpu.enqueue_dma source(%dma_start3A_207 : memref<16x64xf32, #tpu.memory_space<vmem>>) target(%dma_start3A_203 : memref<16x64xf32, #tpu.memory_space<hbm>>) target_semaphore(%arg17 : memref<!tpu.dma_semaphore, #tpu.memory_space<semaphore_mem>>)
    }
    %while3A_66 = arith.constant 1 : i32
    scf.for %while3A_98 = %while3A_64 to %while3A_60 step %while3A_66  : i32 {
      %mul3A_99 = arith.constant 2 : i32
      %mul3A_100 = arith.muli %mul3A_99, %while3A_98 : i32
      %add3A_101 = arith.constant 0 : i32
      %add3A_102 = arith.addi %mul3A_100, %add3A_101 : i32
      %add3A_103 = arith.constant 2 : i32
      %add3A_104 = arith.addi %add3A_102, %add3A_103 : i32
      %sub3A_105 = arith.constant 1 : i32
      %sub3A_106 = arith.subi %add3A_104, %sub3A_105 : i32
      %lt3A_107 = arith.cmpi slt, %sub3A_106, %select_n3A : i32
      %convert_element_type3A_108 = arith.extui %lt3A_107 : i1 to i32
      %cond3A_109 = arith.constant 0 : i32
      %cond3A_110 = arith.cmpi ne, %convert_element_type3A_108, %cond3A_109 : i32
      scf.if %cond3A_110 {
        %add3A_208 = arith.constant 2 : i32
        %add3A_209 = arith.addi %add3A_102, %add3A_208 : i32
        %sub3A_210 = arith.constant 1 : i32
        %sub3A_211 = arith.subi %add3A_209, %sub3A_210 : i32
        %mul3A_212 = arith.constant 256 : i32
        %mul3A_213 = arith.muli %sub3A_211, %mul3A_212 : i32
        %dma_start3A_214 = arith.constant 1 : i32
        %dma_start3A_215 = arith.constant 0 : i32
        %dma_start3A_216 = arith.constant 0 : i32
        %dma_start3A_217 = tpu.memref_slice %arg8[%dma_start3A_214, %dma_start3A_215, %dma_start3A_216] : memref<2x256x64xf32, #tpu.memory_space<vmem>> -> memref<1x256x64xf32, #tpu.memory_space<vmem>>
        %dma_start3A_218 = tpu.memref_squeeze %dma_start3A_217 : memref<1x256x64xf32, #tpu.memory_space<vmem>> -> memref<256x64xf32, #tpu.memory_space<vmem>>
        %dma_start3A_219 = tpu.memref_slice %arg6[%mul3A_213] : memref<5120xi32, #tpu.memory_space<vmem>> -> memref<256xi32, #tpu.memory_space<vmem>>
        %dma_start3A_220 = arith.constant 0 : i32
        %dma_start3A_221 = arith.constant 0 : i32
        %dma_start3A_222 = tpu.memref_slice %arg11[%dma_start3A_220, %dma_start3A_221] : memref<10000x64xf32, #tpu.memory_space<vmem_shared>> -> memref<10000x64xf32, #tpu.memory_space<vmem_shared>>
        tpu.enqueue_indirect_dma source(%dma_start3A_222 : memref<10000x64xf32, #tpu.memory_space<vmem_shared>>) target(%dma_start3A_218 : memref<256x64xf32, #tpu.memory_space<vmem>>) offsets(%dma_start3A_219 : memref<256xi32, #tpu.memory_space<vmem>>) semaphore(%arg13 : memref<!tpu.dma_semaphore, #tpu.memory_space<semaphore_mem>>)
        %mul3A_223 = arith.constant 256 : i32
        %mul3A_224 = arith.muli %sub3A_211, %mul3A_223 : i32
        %dma_start3A_225 = arith.constant 1 : i32
        %dma_start3A_226 = arith.constant 0 : i32
        %dma_start3A_227 = arith.constant 0 : i32
        %dma_start3A_228 = tpu.memref_slice %arg9[%dma_start3A_225, %dma_start3A_226, %dma_start3A_227] : memref<2x256x64xf32, #tpu.memory_space<vmem>> -> memref<1x256x64xf32, #tpu.memory_space<vmem>>
        %dma_start3A_229 = tpu.memref_squeeze %dma_start3A_228 : memref<1x256x64xf32, #tpu.memory_space<vmem>> -> memref<256x64xf32, #tpu.memory_space<vmem>>
        %dma_start3A_230 = tpu.memref_slice %arg7[%mul3A_224] : memref<5120xi32, #tpu.memory_space<vmem>> -> memref<256xi32, #tpu.memory_space<vmem>>
        %dma_start3A_231 = arith.constant 0 : i32
        %dma_start3A_232 = arith.constant 0 : i32
        %dma_start3A_233 = tpu.memref_slice %arg3[%dma_start3A_231, %dma_start3A_232] : memref<10000x64xf32, #tpu.memory_space<hbm>> -> memref<10000x64xf32, #tpu.memory_space<hbm>>
        tpu.enqueue_indirect_dma source(%dma_start3A_233 : memref<10000x64xf32, #tpu.memory_space<hbm>>) target(%dma_start3A_229 : memref<256x64xf32, #tpu.memory_space<vmem>>) offsets(%dma_start3A_230 : memref<256xi32, #tpu.memory_space<vmem>>) semaphore(%arg15 : memref<!tpu.dma_semaphore, #tpu.memory_space<semaphore_mem>>)
      } else {
      }
      %mul3A_111 = arith.constant 256 : i32
      %mul3A_112 = arith.muli %add3A_102, %mul3A_111 : i32
      %dma_wait3A_113 = arith.constant 0 : i32
      %dma_wait3A_114 = arith.constant 0 : i32
      %dma_wait3A_115 = arith.constant 0 : i32
      %dma_wait3A_116 = tpu.memref_slice %arg8[%dma_wait3A_113, %dma_wait3A_114, %dma_wait3A_115] : memref<2x256x64xf32, #tpu.memory_space<vmem>> -> memref<1x256x64xf32, #tpu.memory_space<vmem>>
      %dma_wait3A_117 = tpu.memref_squeeze %dma_wait3A_116 : memref<1x256x64xf32, #tpu.memory_space<vmem>> -> memref<256x64xf32, #tpu.memory_space<vmem>>
      %dma_wait3A_118 = tpu.memref_slice %arg6[%mul3A_112] : memref<5120xi32, #tpu.memory_space<vmem>> -> memref<256xi32, #tpu.memory_space<vmem>>
      %dma_wait3A_119 = arith.constant 0 : i32
      %dma_wait3A_120 = arith.constant 0 : i32
      %dma_wait3A_121 = tpu.memref_slice %arg11[%dma_wait3A_119, %dma_wait3A_120] : memref<10000x64xf32, #tpu.memory_space<vmem_shared>> -> memref<10000x64xf32, #tpu.memory_space<vmem_shared>>
      tpu.wait_indirect_dma semaphore(%arg12 : memref<!tpu.dma_semaphore, #tpu.memory_space<semaphore_mem>>) src(%dma_wait3A_121 : memref<10000x64xf32, #tpu.memory_space<vmem_shared>>) dst(%dma_wait3A_117 : memref<256x64xf32, #tpu.memory_space<vmem>>)
      %mul3A_122 = arith.constant 256 : i32
      %mul3A_123 = arith.muli %add3A_102, %mul3A_122 : i32
      %dma_wait3A_124 = arith.constant 0 : i32
      %dma_wait3A_125 = arith.constant 0 : i32
      %dma_wait3A_126 = arith.constant 0 : i32
      %dma_wait3A_127 = tpu.memref_slice %arg9[%dma_wait3A_124, %dma_wait3A_125, %dma_wait3A_126] : memref<2x256x64xf32, #tpu.memory_space<vmem>> -> memref<1x256x64xf32, #tpu.memory_space<vmem>>
      %dma_wait3A_128 = tpu.memref_squeeze %dma_wait3A_127 : memref<1x256x64xf32, #tpu.memory_space<vmem>> -> memref<256x64xf32, #tpu.memory_space<vmem>>
      %dma_wait3A_129 = tpu.memref_slice %arg7[%mul3A_123] : memref<5120xi32, #tpu.memory_space<vmem>> -> memref<256xi32, #tpu.memory_space<vmem>>
      %dma_wait3A_130 = arith.constant 0 : i32
      %dma_wait3A_131 = arith.constant 0 : i32
      %dma_wait3A_132 = tpu.memref_slice %arg3[%dma_wait3A_130, %dma_wait3A_131] : memref<10000x64xf32, #tpu.memory_space<hbm>> -> memref<10000x64xf32, #tpu.memory_space<hbm>>
      tpu.wait_indirect_dma semaphore(%arg14 : memref<!tpu.dma_semaphore, #tpu.memory_space<semaphore_mem>>) src(%dma_wait3A_132 : memref<10000x64xf32, #tpu.memory_space<hbm>>) dst(%dma_wait3A_128 : memref<256x64xf32, #tpu.memory_space<vmem>>)
      %ge3A = arith.constant 1 : i32
      %ge3A_133 = arith.cmpi sge, %while3A_98, %ge3A : i32
      %convert_element_type3A_134 = arith.extui %ge3A_133 : i1 to i32
      %cond3A_135 = arith.constant 0 : i32
      %cond3A_136 = arith.cmpi ne, %convert_element_type3A_134, %cond3A_135 : i32
      scf.if %cond3A_136 {
        %dma_wait3A_208 = arith.constant 0 : i32
        %dma_wait3A_209 = arith.constant 0 : i32
        %dma_wait3A_210 = arith.constant 0 : i32
        %dma_wait3A_211 = tpu.memref_slice %arg10[%dma_wait3A_208, %dma_wait3A_209, %dma_wait3A_210] : memref<2x16x64xf32, #tpu.memory_space<vmem>> -> memref<1x16x64xf32, #tpu.memory_space<vmem>>
        %dma_wait3A_212 = tpu.memref_squeeze %dma_wait3A_211 : memref<1x16x64xf32, #tpu.memory_space<vmem>> -> memref<16x64xf32, #tpu.memory_space<vmem>>
        %dma_wait3A_213 = arith.constant 0 : i32
        %dma_wait3A_214 = tpu.memref_slice %arg5[%mul3A_2, %dma_wait3A_213] : memref<10240x64xf32, #tpu.memory_space<hbm>> -> memref<16x64xf32, #tpu.memory_space<hbm>>
        %dma_wait3A_215 = arith.constant 0 : i32
        %dma_wait3A_216 = tpu.memref_slice %arg5[%mul3A_2, %dma_wait3A_215] : memref<10240x64xf32, #tpu.memory_space<hbm>> -> memref<16x64xf32, #tpu.memory_space<hbm>>
        %dma_wait3A_217 = arith.constant 0 : i32
        %dma_wait3A_218 = arith.constant 0 : i32
        %dma_wait3A_219 = tpu.memref_slice %arg10[%dma_wait3A_208, %dma_wait3A_217, %dma_wait3A_218] : memref<2x16x64xf32, #tpu.memory_space<vmem>> -> memref<1x16x64xf32, #tpu.memory_space<vmem>>
        %dma_wait3A_220 = tpu.memref_squeeze %dma_wait3A_219 : memref<1x16x64xf32, #tpu.memory_space<vmem>> -> memref<16x64xf32, #tpu.memory_space<vmem>>
        tpu.wait_dma2 semaphore(%arg16 : memref<!tpu.dma_semaphore, #tpu.memory_space<semaphore_mem>>) src(%dma_wait3A_220 : memref<16x64xf32, #tpu.memory_space<vmem>>) dst(%dma_wait3A_216 : memref<16x64xf32, #tpu.memory_space<hbm>>)
      } else {
      }
      %mul3A_137 = arith.constant 16 : i32
      %mul3A_138 = arith.muli %add3A_102, %mul3A_137 : i32
      %add3A_139 = arith.addi %mul3A_2, %mul3A_138 : i32
      %dma_start3A_140 = arith.constant 0 : i32
      %dma_start3A_141 = arith.constant 0 : i32
      %dma_start3A_142 = arith.constant 0 : i32
      %dma_start3A_143 = tpu.memref_slice %arg10[%dma_start3A_140, %dma_start3A_141, %dma_start3A_142] : memref<2x16x64xf32, #tpu.memory_space<vmem>> -> memref<1x16x64xf32, #tpu.memory_space<vmem>>
      %dma_start3A_144 = tpu.memref_squeeze %dma_start3A_143 : memref<1x16x64xf32, #tpu.memory_space<vmem>> -> memref<16x64xf32, #tpu.memory_space<vmem>>
      %dma_start3A_145 = arith.constant 0 : i32
      %dma_start3A_146 = tpu.memref_slice %arg5[%add3A_139, %dma_start3A_145] : memref<10240x64xf32, #tpu.memory_space<hbm>> -> memref<16x64xf32, #tpu.memory_space<hbm>>
      %dma_start3A_147 = arith.constant 0 : i32
      %dma_start3A_148 = tpu.memref_slice %arg5[%add3A_139, %dma_start3A_147] : memref<10240x64xf32, #tpu.memory_space<hbm>> -> memref<16x64xf32, #tpu.memory_space<hbm>>
      %dma_start3A_149 = arith.constant 0 : i32
      %dma_start3A_150 = arith.constant 0 : i32
      %dma_start3A_151 = tpu.memref_slice %arg10[%dma_start3A_140, %dma_start3A_149, %dma_start3A_150] : memref<2x16x64xf32, #tpu.memory_space<vmem>> -> memref<1x16x64xf32, #tpu.memory_space<vmem>>
      %dma_start3A_152 = tpu.memref_squeeze %dma_start3A_151 : memref<1x16x64xf32, #tpu.memory_space<vmem>> -> memref<16x64xf32, #tpu.memory_space<vmem>>
      tpu.enqueue_dma source(%dma_start3A_152 : memref<16x64xf32, #tpu.memory_space<vmem>>) target(%dma_start3A_148 : memref<16x64xf32, #tpu.memory_space<hbm>>) target_semaphore(%arg16 : memref<!tpu.dma_semaphore, #tpu.memory_space<semaphore_mem>>)
      %mul3A_153 = arith.constant 2 : i32
      %mul3A_154 = arith.muli %mul3A_153, %while3A_98 : i32
      %add3A_155 = arith.constant 1 : i32
      %add3A_156 = arith.addi %mul3A_154, %add3A_155 : i32
      %add3A_157 = arith.constant 2 : i32
      %add3A_158 = arith.addi %add3A_156, %add3A_157 : i32
      %sub3A_159 = arith.constant 1 : i32
      %sub3A_160 = arith.subi %add3A_158, %sub3A_159 : i32
      %lt3A_161 = arith.cmpi slt, %sub3A_160, %select_n3A : i32
      %convert_element_type3A_162 = arith.extui %lt3A_161 : i1 to i32
      %cond3A_163 = arith.constant 0 : i32
      %cond3A_164 = arith.cmpi ne, %convert_element_type3A_162, %cond3A_163 : i32
      scf.if %cond3A_164 {
        %add3A_208 = arith.constant 2 : i32
        %add3A_209 = arith.addi %add3A_156, %add3A_208 : i32
        %sub3A_210 = arith.constant 1 : i32
        %sub3A_211 = arith.subi %add3A_209, %sub3A_210 : i32
        %mul3A_212 = arith.constant 256 : i32
        %mul3A_213 = arith.muli %sub3A_211, %mul3A_212 : i32
        %dma_start3A_214 = arith.constant 0 : i32
        %dma_start3A_215 = arith.constant 0 : i32
        %dma_start3A_216 = arith.constant 0 : i32
        %dma_start3A_217 = tpu.memref_slice %arg8[%dma_start3A_214, %dma_start3A_215, %dma_start3A_216] : memref<2x256x64xf32, #tpu.memory_space<vmem>> -> memref<1x256x64xf32, #tpu.memory_space<vmem>>
        %dma_start3A_218 = tpu.memref_squeeze %dma_start3A_217 : memref<1x256x64xf32, #tpu.memory_space<vmem>> -> memref<256x64xf32, #tpu.memory_space<vmem>>
        %dma_start3A_219 = tpu.memref_slice %arg6[%mul3A_213] : memref<5120xi32, #tpu.memory_space<vmem>> -> memref<256xi32, #tpu.memory_space<vmem>>
        %dma_start3A_220 = arith.constant 0 : i32
        %dma_start3A_221 = arith.constant 0 : i32
        %dma_start3A_222 = tpu.memref_slice %arg11[%dma_start3A_220, %dma_start3A_221] : memref<10000x64xf32, #tpu.memory_space<vmem_shared>> -> memref<10000x64xf32, #tpu.memory_space<vmem_shared>>
        tpu.enqueue_indirect_dma source(%dma_start3A_222 : memref<10000x64xf32, #tpu.memory_space<vmem_shared>>) target(%dma_start3A_218 : memref<256x64xf32, #tpu.memory_space<vmem>>) offsets(%dma_start3A_219 : memref<256xi32, #tpu.memory_space<vmem>>) semaphore(%arg12 : memref<!tpu.dma_semaphore, #tpu.memory_space<semaphore_mem>>)
        %mul3A_223 = arith.constant 256 : i32
        %mul3A_224 = arith.muli %sub3A_211, %mul3A_223 : i32
        %dma_start3A_225 = arith.constant 0 : i32
        %dma_start3A_226 = arith.constant 0 : i32
        %dma_start3A_227 = arith.constant 0 : i32
        %dma_start3A_228 = tpu.memref_slice %arg9[%dma_start3A_225, %dma_start3A_226, %dma_start3A_227] : memref<2x256x64xf32, #tpu.memory_space<vmem>> -> memref<1x256x64xf32, #tpu.memory_space<vmem>>
        %dma_start3A_229 = tpu.memref_squeeze %dma_start3A_228 : memref<1x256x64xf32, #tpu.memory_space<vmem>> -> memref<256x64xf32, #tpu.memory_space<vmem>>
        %dma_start3A_230 = tpu.memref_slice %arg7[%mul3A_224] : memref<5120xi32, #tpu.memory_space<vmem>> -> memref<256xi32, #tpu.memory_space<vmem>>
        %dma_start3A_231 = arith.constant 0 : i32
        %dma_start3A_232 = arith.constant 0 : i32
        %dma_start3A_233 = tpu.memref_slice %arg3[%dma_start3A_231, %dma_start3A_232] : memref<10000x64xf32, #tpu.memory_space<hbm>> -> memref<10000x64xf32, #tpu.memory_space<hbm>>
        tpu.enqueue_indirect_dma source(%dma_start3A_233 : memref<10000x64xf32, #tpu.memory_space<hbm>>) target(%dma_start3A_229 : memref<256x64xf32, #tpu.memory_space<vmem>>) offsets(%dma_start3A_230 : memref<256xi32, #tpu.memory_space<vmem>>) semaphore(%arg14 : memref<!tpu.dma_semaphore, #tpu.memory_space<semaphore_mem>>)
      } else {
      }
      %mul3A_165 = arith.constant 256 : i32
      %mul3A_166 = arith.muli %add3A_156, %mul3A_165 : i32
      %dma_wait3A_167 = arith.constant 1 : i32
      %dma_wait3A_168 = arith.constant 0 : i32
      %dma_wait3A_169 = arith.constant 0 : i32
      %dma_wait3A_170 = tpu.memref_slice %arg8[%dma_wait3A_167, %dma_wait3A_168, %dma_wait3A_169] : memref<2x256x64xf32, #tpu.memory_space<vmem>> -> memref<1x256x64xf32, #tpu.memory_space<vmem>>
      %dma_wait3A_171 = tpu.memref_squeeze %dma_wait3A_170 : memref<1x256x64xf32, #tpu.memory_space<vmem>> -> memref<256x64xf32, #tpu.memory_space<vmem>>
      %dma_wait3A_172 = tpu.memref_slice %arg6[%mul3A_166] : memref<5120xi32, #tpu.memory_space<vmem>> -> memref<256xi32, #tpu.memory_space<vmem>>
      %dma_wait3A_173 = arith.constant 0 : i32
      %dma_wait3A_174 = arith.constant 0 : i32
      %dma_wait3A_175 = tpu.memref_slice %arg11[%dma_wait3A_173, %dma_wait3A_174] : memref<10000x64xf32, #tpu.memory_space<vmem_shared>> -> memref<10000x64xf32, #tpu.memory_space<vmem_shared>>
      tpu.wait_indirect_dma semaphore(%arg13 : memref<!tpu.dma_semaphore, #tpu.memory_space<semaphore_mem>>) src(%dma_wait3A_175 : memref<10000x64xf32, #tpu.memory_space<vmem_shared>>) dst(%dma_wait3A_171 : memref<256x64xf32, #tpu.memory_space<vmem>>)
      %mul3A_176 = arith.constant 256 : i32
      %mul3A_177 = arith.muli %add3A_156, %mul3A_176 : i32
      %dma_wait3A_178 = arith.constant 1 : i32
      %dma_wait3A_179 = arith.constant 0 : i32
      %dma_wait3A_180 = arith.constant 0 : i32
      %dma_wait3A_181 = tpu.memref_slice %arg9[%dma_wait3A_178, %dma_wait3A_179, %dma_wait3A_180] : memref<2x256x64xf32, #tpu.memory_space<vmem>> -> memref<1x256x64xf32, #tpu.memory_space<vmem>>
      %dma_wait3A_182 = tpu.memref_squeeze %dma_wait3A_181 : memref<1x256x64xf32, #tpu.memory_space<vmem>> -> memref<256x64xf32, #tpu.memory_space<vmem>>
      %dma_wait3A_183 = tpu.memref_slice %arg7[%mul3A_177] : memref<5120xi32, #tpu.memory_space<vmem>> -> memref<256xi32, #tpu.memory_space<vmem>>
      %dma_wait3A_184 = arith.constant 0 : i32
      %dma_wait3A_185 = arith.constant 0 : i32
      %dma_wait3A_186 = tpu.memref_slice %arg3[%dma_wait3A_184, %dma_wait3A_185] : memref<10000x64xf32, #tpu.memory_space<hbm>> -> memref<10000x64xf32, #tpu.memory_space<hbm>>
      tpu.wait_indirect_dma semaphore(%arg15 : memref<!tpu.dma_semaphore, #tpu.memory_space<semaphore_mem>>) src(%dma_wait3A_186 : memref<10000x64xf32, #tpu.memory_space<hbm>>) dst(%dma_wait3A_182 : memref<256x64xf32, #tpu.memory_space<vmem>>)
      %ge3A_187 = arith.constant 1 : i32
      %ge3A_188 = arith.cmpi sge, %while3A_98, %ge3A_187 : i32
      %convert_element_type3A_189 = arith.extui %ge3A_188 : i1 to i32
      %cond3A_190 = arith.constant 0 : i32
      %cond3A_191 = arith.cmpi ne, %convert_element_type3A_189, %cond3A_190 : i32
      scf.if %cond3A_191 {
        %dma_wait3A_208 = arith.constant 1 : i32
        %dma_wait3A_209 = arith.constant 0 : i32
        %dma_wait3A_210 = arith.constant 0 : i32
        %dma_wait3A_211 = tpu.memref_slice %arg10[%dma_wait3A_208, %dma_wait3A_209, %dma_wait3A_210] : memref<2x16x64xf32, #tpu.memory_space<vmem>> -> memref<1x16x64xf32, #tpu.memory_space<vmem>>
        %dma_wait3A_212 = tpu.memref_squeeze %dma_wait3A_211 : memref<1x16x64xf32, #tpu.memory_space<vmem>> -> memref<16x64xf32, #tpu.memory_space<vmem>>
        %dma_wait3A_213 = arith.constant 0 : i32
        %dma_wait3A_214 = tpu.memref_slice %arg5[%mul3A_2, %dma_wait3A_213] : memref<10240x64xf32, #tpu.memory_space<hbm>> -> memref<16x64xf32, #tpu.memory_space<hbm>>
        %dma_wait3A_215 = arith.constant 0 : i32
        %dma_wait3A_216 = tpu.memref_slice %arg5[%mul3A_2, %dma_wait3A_215] : memref<10240x64xf32, #tpu.memory_space<hbm>> -> memref<16x64xf32, #tpu.memory_space<hbm>>
        %dma_wait3A_217 = arith.constant 0 : i32
        %dma_wait3A_218 = arith.constant 0 : i32
        %dma_wait3A_219 = tpu.memref_slice %arg10[%dma_wait3A_208, %dma_wait3A_217, %dma_wait3A_218] : memref<2x16x64xf32, #tpu.memory_space<vmem>> -> memref<1x16x64xf32, #tpu.memory_space<vmem>>
        %dma_wait3A_220 = tpu.memref_squeeze %dma_wait3A_219 : memref<1x16x64xf32, #tpu.memory_space<vmem>> -> memref<16x64xf32, #tpu.memory_space<vmem>>
        tpu.wait_dma2 semaphore(%arg17 : memref<!tpu.dma_semaphore, #tpu.memory_space<semaphore_mem>>) src(%dma_wait3A_220 : memref<16x64xf32, #tpu.memory_space<vmem>>) dst(%dma_wait3A_216 : memref<16x64xf32, #tpu.memory_space<hbm>>)
      } else {
      }
      %mul3A_192 = arith.constant 16 : i32
      %mul3A_193 = arith.muli %add3A_156, %mul3A_192 : i32
      %add3A_194 = arith.addi %mul3A_2, %mul3A_193 : i32
      %dma_start3A_195 = arith.constant 1 : i32
      %dma_start3A_196 = arith.constant 0 : i32
      %dma_start3A_197 = arith.constant 0 : i32
      %dma_start3A_198 = tpu.memref_slice %arg10[%dma_start3A_195, %dma_start3A_196, %dma_start3A_197] : memref<2x16x64xf32, #tpu.memory_space<vmem>> -> memref<1x16x64xf32, #tpu.memory_space<vmem>>
      %dma_start3A_199 = tpu.memref_squeeze %dma_start3A_198 : memref<1x16x64xf32, #tpu.memory_space<vmem>> -> memref<16x64xf32, #tpu.memory_space<vmem>>
      %dma_start3A_200 = arith.constant 0 : i32
      %dma_start3A_201 = tpu.memref_slice %arg5[%add3A_194, %dma_start3A_200] : memref<10240x64xf32, #tpu.memory_space<hbm>> -> memref<16x64xf32, #tpu.memory_space<hbm>>
      %dma_start3A_202 = arith.constant 0 : i32
      %dma_start3A_203 = tpu.memref_slice %arg5[%add3A_194, %dma_start3A_202] : memref<10240x64xf32, #tpu.memory_space<hbm>> -> memref<16x64xf32, #tpu.memory_space<hbm>>
      %dma_start3A_204 = arith.constant 0 : i32
      %dma_start3A_205 = arith.constant 0 : i32
      %dma_start3A_206 = tpu.memref_slice %arg10[%dma_start3A_195, %dma_start3A_204, %dma_start3A_205] : memref<2x16x64xf32, #tpu.memory_space<vmem>> -> memref<1x16x64xf32, #tpu.memory_space<vmem>>
      %dma_start3A_207 = tpu.memref_squeeze %dma_start3A_206 : memref<1x16x64xf32, #tpu.memory_space<vmem>> -> memref<16x64xf32, #tpu.memory_space<vmem>>
      tpu.enqueue_dma source(%dma_start3A_207 : memref<16x64xf32, #tpu.memory_space<vmem>>) target(%dma_start3A_203 : memref<16x64xf32, #tpu.memory_space<hbm>>) target_semaphore(%arg17 : memref<!tpu.dma_semaphore, #tpu.memory_space<semaphore_mem>>)
    }
    %eq3A_67 = arith.constant 31 : i32
    %eq3A_68 = arith.cmpi eq, %add3A, %eq3A_67 : i32
    %convert_element_type3A_69 = arith.extui %eq3A_68 : i1 to i32
    %cond3A_70 = arith.constant 0 : i32
    %cond3A_71 = arith.cmpi ne, %convert_element_type3A_69, %cond3A_70 : i32
    scf.if %cond3A_71 {
      %dma_wait3A_98 = arith.constant 0 : i32
      %dma_wait3A_99 = arith.constant 0 : i32
      %dma_wait3A_100 = arith.constant 0 : i32
      %dma_wait3A_101 = tpu.memref_slice %arg8[%dma_wait3A_98, %dma_wait3A_99, %dma_wait3A_100] : memref<2x256x64xf32, #tpu.memory_space<vmem>> -> memref<1x256x64xf32, #tpu.memory_space<vmem>>
      %dma_wait3A_102 = tpu.memref_squeeze %dma_wait3A_101 : memref<1x256x64xf32, #tpu.memory_space<vmem>> -> memref<256x64xf32, #tpu.memory_space<vmem>>
      %dma_wait3A_103 = arith.constant 1024 : i32
      %dma_wait3A_104 = tpu.memref_slice %arg6[%dma_wait3A_103] : memref<5120xi32, #tpu.memory_space<vmem>> -> memref<256xi32, #tpu.memory_space<vmem>>
      %dma_wait3A_105 = arith.constant 0 : i32
      %dma_wait3A_106 = arith.constant 0 : i32
      %dma_wait3A_107 = tpu.memref_slice %arg11[%dma_wait3A_105, %dma_wait3A_106] : memref<10000x64xf32, #tpu.memory_space<vmem_shared>> -> memref<10000x64xf32, #tpu.memory_space<vmem_shared>>
      tpu.wait_indirect_dma semaphore(%arg12 : memref<!tpu.dma_semaphore, #tpu.memory_space<semaphore_mem>>) src(%dma_wait3A_107 : memref<10000x64xf32, #tpu.memory_space<vmem_shared>>) dst(%dma_wait3A_102 : memref<256x64xf32, #tpu.memory_space<vmem>>)
      %dma_wait3A_108 = arith.constant 0 : i32
      %dma_wait3A_109 = arith.constant 0 : i32
      %dma_wait3A_110 = arith.constant 0 : i32
      %dma_wait3A_111 = tpu.memref_slice %arg9[%dma_wait3A_108, %dma_wait3A_109, %dma_wait3A_110] : memref<2x256x64xf32, #tpu.memory_space<vmem>> -> memref<1x256x64xf32, #tpu.memory_space<vmem>>
      %dma_wait3A_112 = tpu.memref_squeeze %dma_wait3A_111 : memref<1x256x64xf32, #tpu.memory_space<vmem>> -> memref<256x64xf32, #tpu.memory_space<vmem>>
      %dma_wait3A_113 = arith.constant 1024 : i32
      %dma_wait3A_114 = tpu.memref_slice %arg7[%dma_wait3A_113] : memref<5120xi32, #tpu.memory_space<vmem>> -> memref<256xi32, #tpu.memory_space<vmem>>
      %dma_wait3A_115 = arith.constant 0 : i32
      %dma_wait3A_116 = arith.constant 0 : i32
      %dma_wait3A_117 = tpu.memref_slice %arg3[%dma_wait3A_115, %dma_wait3A_116] : memref<10000x64xf32, #tpu.memory_space<hbm>> -> memref<10000x64xf32, #tpu.memory_space<hbm>>
      tpu.wait_indirect_dma semaphore(%arg14 : memref<!tpu.dma_semaphore, #tpu.memory_space<semaphore_mem>>) src(%dma_wait3A_117 : memref<10000x64xf32, #tpu.memory_space<hbm>>) dst(%dma_wait3A_112 : memref<256x64xf32, #tpu.memory_space<vmem>>)
      %dma_wait3A_118 = arith.constant 0 : i32
      %dma_wait3A_119 = arith.constant 0 : i32
      %dma_wait3A_120 = arith.constant 0 : i32
      %dma_wait3A_121 = tpu.memref_slice %arg10[%dma_wait3A_118, %dma_wait3A_119, %dma_wait3A_120] : memref<2x16x64xf32, #tpu.memory_space<vmem>> -> memref<1x16x64xf32, #tpu.memory_space<vmem>>
      %dma_wait3A_122 = tpu.memref_squeeze %dma_wait3A_121 : memref<1x16x64xf32, #tpu.memory_space<vmem>> -> memref<16x64xf32, #tpu.memory_space<vmem>>
      %dma_wait3A_123 = arith.constant 0 : i32
      %dma_wait3A_124 = tpu.memref_slice %arg5[%mul3A_2, %dma_wait3A_123] : memref<10240x64xf32, #tpu.memory_space<hbm>> -> memref<16x64xf32, #tpu.memory_space<hbm>>
      %dma_wait3A_125 = arith.constant 0 : i32
      %dma_wait3A_126 = tpu.memref_slice %arg5[%mul3A_2, %dma_wait3A_125] : memref<10240x64xf32, #tpu.memory_space<hbm>> -> memref<16x64xf32, #tpu.memory_space<hbm>>
      %dma_wait3A_127 = arith.constant 0 : i32
      %dma_wait3A_128 = arith.constant 0 : i32
      %dma_wait3A_129 = tpu.memref_slice %arg10[%dma_wait3A_118, %dma_wait3A_127, %dma_wait3A_128] : memref<2x16x64xf32, #tpu.memory_space<vmem>> -> memref<1x16x64xf32, #tpu.memory_space<vmem>>
      %dma_wait3A_130 = tpu.memref_squeeze %dma_wait3A_129 : memref<1x16x64xf32, #tpu.memory_space<vmem>> -> memref<16x64xf32, #tpu.memory_space<vmem>>
      tpu.wait_dma2 semaphore(%arg16 : memref<!tpu.dma_semaphore, #tpu.memory_space<semaphore_mem>>) src(%dma_wait3A_130 : memref<16x64xf32, #tpu.memory_space<vmem>>) dst(%dma_wait3A_126 : memref<16x64xf32, #tpu.memory_space<hbm>>)
      %add3A_131 = arith.constant 64 : i32
      %add3A_132 = arith.addi %mul3A_2, %add3A_131 : i32
      %dma_start3A_133 = arith.constant 0 : i32
      %dma_start3A_134 = arith.constant 0 : i32
      %dma_start3A_135 = arith.constant 0 : i32
      %dma_start3A_136 = tpu.memref_slice %arg10[%dma_start3A_133, %dma_start3A_134, %dma_start3A_135] : memref<2x16x64xf32, #tpu.memory_space<vmem>> -> memref<1x16x64xf32, #tpu.memory_space<vmem>>
      %dma_start3A_137 = tpu.memref_squeeze %dma_start3A_136 : memref<1x16x64xf32, #tpu.memory_space<vmem>> -> memref<16x64xf32, #tpu.memory_space<vmem>>
      %dma_start3A_138 = arith.constant 0 : i32
      %dma_start3A_139 = tpu.memref_slice %arg5[%add3A_132, %dma_start3A_138] : memref<10240x64xf32, #tpu.memory_space<hbm>> -> memref<16x64xf32, #tpu.memory_space<hbm>>
      %dma_start3A_140 = arith.constant 0 : i32
      %dma_start3A_141 = tpu.memref_slice %arg5[%add3A_132, %dma_start3A_140] : memref<10240x64xf32, #tpu.memory_space<hbm>> -> memref<16x64xf32, #tpu.memory_space<hbm>>
      %dma_start3A_142 = arith.constant 0 : i32
      %dma_start3A_143 = arith.constant 0 : i32
      %dma_start3A_144 = tpu.memref_slice %arg10[%dma_start3A_133, %dma_start3A_142, %dma_start3A_143] : memref<2x16x64xf32, #tpu.memory_space<vmem>> -> memref<1x16x64xf32, #tpu.memory_space<vmem>>
      %dma_start3A_145 = tpu.memref_squeeze %dma_start3A_144 : memref<1x16x64xf32, #tpu.memory_space<vmem>> -> memref<16x64xf32, #tpu.memory_space<vmem>>
      tpu.enqueue_dma source(%dma_start3A_145 : memref<16x64xf32, #tpu.memory_space<vmem>>) target(%dma_start3A_141 : memref<16x64xf32, #tpu.memory_space<hbm>>) target_semaphore(%arg16 : memref<!tpu.dma_semaphore, #tpu.memory_space<semaphore_mem>>)
    } else {
    }
    %dma_wait3A_72 = arith.constant 0 : i32
    %dma_wait3A_73 = arith.constant 0 : i32
    %dma_wait3A_74 = arith.constant 0 : i32
    %dma_wait3A_75 = tpu.memref_slice %arg10[%dma_wait3A_72, %dma_wait3A_73, %dma_wait3A_74] : memref<2x16x64xf32, #tpu.memory_space<vmem>> -> memref<1x16x64xf32, #tpu.memory_space<vmem>>
    %dma_wait3A_76 = tpu.memref_squeeze %dma_wait3A_75 : memref<1x16x64xf32, #tpu.memory_space<vmem>> -> memref<16x64xf32, #tpu.memory_space<vmem>>
    %dma_wait3A_77 = arith.constant 0 : i32
    %dma_wait3A_78 = tpu.memref_slice %arg5[%mul3A_2, %dma_wait3A_77] : memref<10240x64xf32, #tpu.memory_space<hbm>> -> memref<16x64xf32, #tpu.memory_space<hbm>>
    %dma_wait3A_79 = arith.constant 0 : i32
    %dma_wait3A_80 = tpu.memref_slice %arg5[%mul3A_2, %dma_wait3A_79] : memref<10240x64xf32, #tpu.memory_space<hbm>> -> memref<16x64xf32, #tpu.memory_space<hbm>>
    %dma_wait3A_81 = arith.constant 0 : i32
    %dma_wait3A_82 = arith.constant 0 : i32
    %dma_wait3A_83 = tpu.memref_slice %arg10[%dma_wait3A_72, %dma_wait3A_81, %dma_wait3A_82] : memref<2x16x64xf32, #tpu.memory_space<vmem>> -> memref<1x16x64xf32, #tpu.memory_space<vmem>>
    %dma_wait3A_84 = tpu.memref_squeeze %dma_wait3A_83 : memref<1x16x64xf32, #tpu.memory_space<vmem>> -> memref<16x64xf32, #tpu.memory_space<vmem>>
    tpu.wait_dma2 semaphore(%arg16 : memref<!tpu.dma_semaphore, #tpu.memory_space<semaphore_mem>>) src(%dma_wait3A_84 : memref<16x64xf32, #tpu.memory_space<vmem>>) dst(%dma_wait3A_80 : memref<16x64xf32, #tpu.memory_space<hbm>>)
    %dma_wait3A_85 = arith.constant 1 : i32
    %dma_wait3A_86 = arith.constant 0 : i32
    %dma_wait3A_87 = arith.constant 0 : i32
    %dma_wait3A_88 = tpu.memref_slice %arg10[%dma_wait3A_85, %dma_wait3A_86, %dma_wait3A_87] : memref<2x16x64xf32, #tpu.memory_space<vmem>> -> memref<1x16x64xf32, #tpu.memory_space<vmem>>
    %dma_wait3A_89 = tpu.memref_squeeze %dma_wait3A_88 : memref<1x16x64xf32, #tpu.memory_space<vmem>> -> memref<16x64xf32, #tpu.memory_space<vmem>>
    %dma_wait3A_90 = arith.constant 0 : i32
    %dma_wait3A_91 = tpu.memref_slice %arg5[%mul3A_2, %dma_wait3A_90] : memref<10240x64xf32, #tpu.memory_space<hbm>> -> memref<16x64xf32, #tpu.memory_space<hbm>>
    %dma_wait3A_92 = arith.constant 0 : i32
    %dma_wait3A_93 = tpu.memref_slice %arg5[%mul3A_2, %dma_wait3A_92] : memref<10240x64xf32, #tpu.memory_space<hbm>> -> memref<16x64xf32, #tpu.memory_space<hbm>>
    %dma_wait3A_94 = arith.constant 0 : i32
    %dma_wait3A_95 = arith.constant 0 : i32
    %dma_wait3A_96 = tpu.memref_slice %arg10[%dma_wait3A_85, %dma_wait3A_94, %dma_wait3A_95] : memref<2x16x64xf32, #tpu.memory_space<vmem>> -> memref<1x16x64xf32, #tpu.memory_space<vmem>>
    %dma_wait3A_97 = tpu.memref_squeeze %dma_wait3A_96 : memref<1x16x64xf32, #tpu.memory_space<vmem>> -> memref<16x64xf32, #tpu.memory_space<vmem>>
    tpu.wait_dma2 semaphore(%arg17 : memref<!tpu.dma_semaphore, #tpu.memory_space<semaphore_mem>>) src(%dma_wait3A_97 : memref<16x64xf32, #tpu.memory_space<vmem>>) dst(%dma_wait3A_93 : memref<16x64xf32, #tpu.memory_space<hbm>>)
    return
  }
}

module attributes {stable_mosaic.version = 14 : i64} {
  func.func @_embed_body(%arg0: i32, %arg1: memref<5000x256xf32, #tpu.memory_space<vmem>>, %arg2: memref<64x256xf32, #tpu.memory_space<vmem>>, %arg3: memref<64x256xf32, #tpu.memory_space<vmem>>, %arg4: memref<5000x64xf32, #tpu.memory_space<vmem>>, %arg5: memref<5000x64xf32, #tpu.memory_space<vmem>>) attributes {dimension_semantics = [#tpu.dimension_semantics<arbitrary>], iteration_bounds = array<i64: 2>, scalar_prefetch = 0 : i64, scratch_operands = 0 : i64, tpu.core_type = #tpu.core_type<tc>, window_params = [{transform_indices = @transform_0, window_bounds = array<i64: 5000, 256>}, {pipeline_mode = #tpu.pipeline_mode<synchronous>, transform_indices = @transform_1, window_bounds = array<i64: 64, 256>}, {pipeline_mode = #tpu.pipeline_mode<synchronous>, transform_indices = @transform_2, window_bounds = array<i64: 64, 256>}, {transform_indices = @transform_3, window_bounds = array<i64: 5000, 64>}, {transform_indices = @transform_4, window_bounds = array<i64: 5000, 64>}]} {
    %get3A = arith.constant 0 : index
    %get3A_0 = arith.constant 0 : index
    %get3A_1 = vector.load %arg1[%get3A, %get3A_0] : memref<5000x256xf32, #tpu.memory_space<vmem>>, vector<5000x256xf32>
    %get3A_2 = arith.constant 0 : index
    %get3A_3 = arith.constant 0 : index
    %get3A_4 = vector.load %arg2[%get3A_2, %get3A_3] : memref<64x256xf32, #tpu.memory_space<vmem>>, vector<64x256xf32>
    %get3A_5 = arith.constant 0 : index
    %get3A_6 = arith.constant 0 : index
    %get3A_7 = vector.load %arg3[%get3A_5, %get3A_6] : memref<64x256xf32, #tpu.memory_space<vmem>>, vector<64x256xf32>
    %dot_general3A = arith.constant dense<0.000000e+00> : vector<5000x64xf32>
    %dot_general3A_8 = tpu.matmul %get3A_1, %get3A_4, %dot_general3A {dimension_numbers = #tpu.dot_dimension_numbers<[1], [1], [0], [0], [0, 0, 1, 0], [], []>, transpose_lhs_hint = false} : vector<5000x256xf32>, vector<64x256xf32>, vector<5000x64xf32> -> vector<5000x64xf32>
    %mul3A = arith.constant 6.250000e-02 : f32
    %mul3A_9 = vector.broadcast %mul3A : f32 to vector<5000x64xf32>
    %mul3A_10 = arith.mulf %dot_general3A_8, %mul3A_9 : vector<5000x64xf32>
    %swap3A = arith.constant 0 : index
    %swap3A_11 = arith.constant 0 : index
    %swap3A_12 = vector.load %arg4[%swap3A, %swap3A_11] : memref<5000x64xf32, #tpu.memory_space<vmem>>, vector<5000x64xf32>
    tpu.vector_store %arg4[%swap3A, %swap3A_11], %mul3A_10 {strides = array<i32>} : memref<5000x64xf32, #tpu.memory_space<vmem>>, vector<5000x64xf32>,
    %dot_general3A_13 = arith.constant dense<0.000000e+00> : vector<5000x64xf32>
    %dot_general3A_14 = tpu.matmul %get3A_1, %get3A_7, %dot_general3A_13 {dimension_numbers = #tpu.dot_dimension_numbers<[1], [1], [0], [0], [0, 0, 1, 0], [], []>, transpose_lhs_hint = false} : vector<5000x256xf32>, vector<64x256xf32>, vector<5000x64xf32> -> vector<5000x64xf32>
    %mul3A_15 = arith.constant 6.250000e-02 : f32
    %mul3A_16 = vector.broadcast %mul3A_15 : f32 to vector<5000x64xf32>
    %mul3A_17 = arith.mulf %dot_general3A_14, %mul3A_16 : vector<5000x64xf32>
    %swap3A_18 = arith.constant 0 : index
    %swap3A_19 = arith.constant 0 : index
    %swap3A_20 = vector.load %arg5[%swap3A_18, %swap3A_19] : memref<5000x64xf32, #tpu.memory_space<vmem>>, vector<5000x64xf32>
    tpu.vector_store %arg5[%swap3A_18, %swap3A_19], %mul3A_17 {strides = array<i32>} : memref<5000x64xf32, #tpu.memory_space<vmem>>, vector<5000x64xf32>,
    return
  }
  func.func @transform_0(%arg0: i32) -> (i32, i32) {
    %c0_i32 = arith.constant 0 : i32
    %c0_i32_0 = arith.constant 0 : i32
    return %arg0, %c0_i32 : i32, i32
  }
  func.func @transform_1(%arg0: i32) -> (i32, i32) {
    %c0_i32 = arith.constant 0 : i32
    %c0_i32_0 = arith.constant 0 : i32
    %c0_i32_1 = arith.constant 0 : i32
    return %c0_i32, %c0_i32_0 : i32, i32
  }
  func.func @transform_2(%arg0: i32) -> (i32, i32) {
    %c0_i32 = arith.constant 0 : i32
    %c0_i32_0 = arith.constant 0 : i32
    %c0_i32_1 = arith.constant 0 : i32
    return %c0_i32, %c0_i32_0 : i32, i32
  }
  func.func @transform_3(%arg0: i32) -> (i32, i32) {
    %c0_i32 = arith.constant 0 : i32
    %c0_i32_0 = arith.constant 0 : i32
    return %arg0, %c0_i32 : i32, i32
  }
  func.func @transform_4(%arg0: i32) -> (i32, i32) {
    %c0_i32 = arith.constant 0 : i32
    %c0_i32_0 = arith.constant 0 : i32
    return %arg0, %c0_i32 : i32, i32
  }
}

module attributes {stable_mosaic.version = 14 : i64} {
  func.func @_finish_body(%arg0: i32, %arg1: memref<5000x64xf32, #tpu.memory_space<vmem>>, %arg2: memref<5000x64xf32, #tpu.memory_space<vmem>>, %arg3: memref<256x64xf32, #tpu.memory_space<vmem>>, %arg4: memref<1x256xf32, #tpu.memory_space<vmem>>, %arg5: memref<5000x256xf32, #tpu.memory_space<vmem>>) attributes {dimension_semantics = [#tpu.dimension_semantics<arbitrary>], iteration_bounds = array<i64: 2>, scalar_prefetch = 0 : i64, scratch_operands = 0 : i64, tpu.core_type = #tpu.core_type<tc>, window_params = [{transform_indices = @transform_0, window_bounds = array<i64: 5000, 64>}, {transform_indices = @transform_1, window_bounds = array<i64: 5000, 64>}, {pipeline_mode = #tpu.pipeline_mode<synchronous>, transform_indices = @transform_2, window_bounds = array<i64: 256, 64>}, {pipeline_mode = #tpu.pipeline_mode<synchronous>, transform_indices = @transform_3, window_bounds = array<i64: 1, 256>}, {transform_indices = @transform_4, window_bounds = array<i64: 5000, 256>}]} {
    %get3A = arith.constant 0 : index
    %get3A_0 = arith.constant 0 : index
    %get3A_1 = vector.load %arg1[%get3A, %get3A_0] : memref<5000x64xf32, #tpu.memory_space<vmem>>, vector<5000x64xf32>
    %mul3A = arith.mulf %get3A_1, %get3A_1 : vector<5000x64xf32>
    %get3A_2 = arith.constant 0 : index
    %get3A_3 = arith.constant 0 : index
    %get3A_4 = vector.load %arg2[%get3A_2, %get3A_3] : memref<5000x64xf32, #tpu.memory_space<vmem>>, vector<5000x64xf32>
    %mul3A_5 = arith.constant 6.250000e-02 : f32
    %mul3A_6 = vector.broadcast %mul3A_5 : f32 to vector<5000x64xf32>
    %mul3A_7 = arith.mulf %get3A_4, %mul3A_6 : vector<5000x64xf32>
    %add3A = arith.addf %mul3A, %mul3A_7 : vector<5000x64xf32>
    %reduce_sum3A = arith.constant dense<0.000000e+00> : vector<5000xf32>
    %reduce_sum3A_8 = vector.multi_reduction <add>, %add3A, %reduce_sum3A [1] : vector<5000x64xf32> to vector<5000xf32>
    %broadcast_in_dim3A = vector.shape_cast %reduce_sum3A_8 : vector<5000xf32> to vector<5000x1xf32>
    %add3A_9 = arith.constant 9.99999971E-10 : f32
    %add3A_10 = vector.broadcast %add3A_9 : f32 to vector<5000x1xf32>
    %add3A_11 = arith.addf %broadcast_in_dim3A, %add3A_10 : vector<5000x1xf32>
    %div3A = vector.broadcast %add3A_11 : vector<5000x1xf32> to vector<5000x64xf32>
    %div3A_12 = arith.divf %add3A, %div3A : vector<5000x64xf32>
    %get3A_13 = arith.constant 0 : index
    %get3A_14 = arith.constant 0 : index
    %get3A_15 = vector.load %arg3[%get3A_13, %get3A_14] : memref<256x64xf32, #tpu.memory_space<vmem>>, vector<256x64xf32>
    %dot_general3A = arith.constant dense<0.000000e+00> : vector<5000x256xf32>
    %dot_general3A_16 = tpu.matmul %div3A_12, %get3A_15, %dot_general3A {dimension_numbers = #tpu.dot_dimension_numbers<[1], [1], [0], [0], [0, 0, 1, 0], [], []>, transpose_lhs_hint = false} : vector<5000x64xf32>, vector<256x64xf32>, vector<5000x256xf32> -> vector<5000x256xf32>
    %get3A_17 = arith.constant 0 : index
    %get3A_18 = arith.constant 0 : index
    %get3A_19 = vector.load %arg4[%get3A_17, %get3A_18] : memref<1x256xf32, #tpu.memory_space<vmem>>, vector<1x256xf32>
    %add3A_20 = vector.broadcast %get3A_19 : vector<1x256xf32> to vector<5000x256xf32>
    %add3A_21 = arith.addf %dot_general3A_16, %add3A_20 : vector<5000x256xf32>
    %swap3A = arith.constant 0 : index
    %swap3A_22 = arith.constant 0 : index
    %swap3A_23 = vector.load %arg5[%swap3A, %swap3A_22] : memref<5000x256xf32, #tpu.memory_space<vmem>>, vector<5000x256xf32>
    tpu.vector_store %arg5[%swap3A, %swap3A_22], %add3A_21 {strides = array<i32>} : memref<5000x256xf32, #tpu.memory_space<vmem>>, vector<5000x256xf32>,
    return
  }
  func.func @transform_0(%arg0: i32) -> (i32, i32) {
    %c0_i32 = arith.constant 0 : i32
    %c0_i32_0 = arith.constant 0 : i32
    return %arg0, %c0_i32 : i32, i32
  }
  func.func @transform_1(%arg0: i32) -> (i32, i32) {
    %c0_i32 = arith.constant 0 : i32
    %c0_i32_0 = arith.constant 0 : i32
    return %arg0, %c0_i32 : i32, i32
  }
  func.func @transform_2(%arg0: i32) -> (i32, i32) {
    %c0_i32 = arith.constant 0 : i32
    %c0_i32_0 = arith.constant 0 : i32
    %c0_i32_1 = arith.constant 0 : i32
    return %c0_i32, %c0_i32_0 : i32, i32
  }
  func.func @transform_3(%arg0: i32) -> (i32, i32) {
    %c0_i32 = arith.constant 0 : i32
    %c0_i32_0 = arith.constant 0 : i32
    %c0_i32_1 = arith.constant 0 : i32
    return %c0_i32, %c0_i32_0 : i32, i32
  }
  func.func @transform_4(%arg0: i32) -> (i32, i32) {
    %c0_i32 = arith.constant 0 : i32
    %c0_i32_0 = arith.constant 0 : i32
    return %arg0, %c0_i32 : i32, i32
  }
}

</mosaic_0001>

<sc_bundles>
// kernel: kernel.5.cloned.1.call-start
scs
__scs_entry_jumppad:
0x0: {  	(pc) =	sbr.rel $0x88, $3  }
0x1: {  	(tag) =	ssettag $0x0;
	lr =	simm.s32 $0x1  }
0x2: {  	[smem:$0x3F9B] =	sst lr;
	_ =	strace $0xD0000000  }
0x3: {  	_ = 	snop  }
0x4: {  	_ = 	snop  }
0x5: {  	_ = 	snop  }
0x6: {  	_ = 	snop  }
0x7: {  	_ = 	snop  }
__scs_overlays_trampoline_lowered:
0x8: {  	[smem:$0x3FAA] =	sst s0  }
0x9: {  	[smem:$0x3FAB] =	sst s1  }
0xa: {  	[smem:$0x3FAC] =	sst s2  }
0xb: {  	[smem:$0x3FAD] =	sst s3  }
0xc: {  	[smem:$0x3FAE] =	sst s4  }
0xd: {  	[smem:$0x3FAF] =	sst s5  }
0xe: {  	[smem:$0x3FB0] =	sst s6  }
0xf: {  	[smem:$0x3FB1] =	sst s7  }
0x10: {  	[smem:$0x3FB2] =	sst s8  }
0x11: {  	[smem:$0x3FB3] =	sst s9;
	s0 =	simm.s32 @!p0 $0x0  }
0x12: {  	s1 =	sld [smem:$0x3F99];
	s0 =	simm.s32 @p0 $0x1  }
0x13: {  	[smem:$0x3FB4] =	sst s0;
	s0 =	simm.s32 @!p1 $0x0  }
0x14: {  	s2 =	sld [smem:$0x3F98];
	s0 =	simm.s32 @p1 $0x1  }
0x15: {  	[smem:$0x3FB5] =	sst s0;
	s0 =	simm.s32 @!p2 $0x0  }
0x16: {  	s3 =	sld [smem:$0x3FDB];
	s0 =	simm.s32 @p2 $0x1  }
0x17: {  	s4 =	simm.s32 $0x1BF5;
	[smem:$0x3FB7] =	sst s0  }
0x18: {  	s0 =	sld [smem:$0x3F9A];
	_ =	swait.ge [sflag:s4], $0x0  }
0x19: {  	s7 =	sld [smem:$0x3F9B]  }
0x1a: {  	s8 =	sadd.s32 $0xFFFFE003, lr  }
0x1b: {  	s9 =	sadd.s32 $0xFFFFFEF7, lr;
	s5 =	simm.s32 $0xFFFFFFFF;
	p2 =	slt.u32 s8, $0xFFFFF086  }
0x1c: {  	p1 =	slt.u32 s9, $0xF7A;
	s5 =	simm.s32 @!p2 $0x0  }
0x1d: {  	s5 =	simm.s32 @p1 $0x1;
	p0 =	seq.s32 s7, s2  }
0x1e: {  	s7 =	smul.u32 @!p0 $0xF7A, s2;
	p2 =	seq.s32 @!p0 s5, $0x0  }
0x1f: {  	s9 =	smul.u32 $0xF7A, s1;
	s8 =	simm.s32 @!p0 $0x1BF5;
	p2 =	por !p2, p0  }
0x20: {  	[sflag:s8] =	ssyncset.s32 @!p0 $0xFFFFF086;
	s6 =	sadd.s32 @!p0 s3, s7;
	s7 =	simm.s32 @!p0 $0x108  }
0x21: {  	s3 =	sadd.s32 s3, s9;
	s6 =	sadd.s32 @!p0 $0x88, s6;
	s7 =	simm.s32 @p2 $0x1082  }
0x22: {  	[simem:s7], [sflag:s8] =	dma.local @!p0 [hbm:s6], $0xF7A  }
0x23: {  	s9 =	sor.u32 $0xD0000000, s2;
	s6 =	simm.s32 $0x108;
	_ =	swait.ge @!p0 [sflag:s8], $0x0  }
0x24: {  	s3 =	sadd.s32 $0x88, s3;
	s6 =	simm.s32 @!p1 $0x1082;
	[sflag:s4] =	ssyncset.s32 $0xFFFFF086  }
0x25: {  	[simem:s6], [sflag:s4] =	dma.local [hbm:s3], $0xF7A  }
0x26: {  	[smem:$0x3F9B] =	sst s1;
	(tag) =	ssettag s2;
	_ =	strace s9  }
0x27: {  	s1 =	sld [smem:$0x3FAB]  }
0x28: {  	s2 =	sld [smem:$0x3FAC]  }
0x29: {  	s4 =	sld [smem:$0x3FAE]  }
0x2a: {  	p0 =	seq.s32 s5, $0x0;
	s5 =	sld [smem:$0x3FAF]  }
0x2b: {  	s6 =	sld [smem:$0x3FB0]  }
0x2c: {  	s7 =	sld [smem:$0x3FB1]  }
0x2d: {  	s3 =	simm.s32 $0x108;
	s8 =	sld [smem:$0x3FB2]  }
0x2e: {  	s3 =	simm.s32 @!p0 $0x1082;
	s9 =	sld [smem:$0x3FB3]  }
0x2f: {  	lr =	sadd.s32 s0, s3;
	s0 =	sld [smem:$0x3FAA]  }
0x30: {  	s3 =	sld [smem:$0x3FAD]  }
0x31: {  	[smem:$0x3FB6] =	sst s10  }
0x32: {  	s10 =	sld [smem:$0x3FB4];
	_ =	sdelay $0x3  }
0x33: {  	p0 =	seq.s32 s10, $0x1;
	s10 =	sld [smem:$0x3FB6];
	_ =	sdelay $0x3  }
0x34: {  	[smem:$0x3FB6] =	sst s10  }
0x35: {  	s10 =	sld [smem:$0x3FB5];
	_ =	sdelay $0x3  }
0x36: {  	p1 =	seq.s32 s10, $0x1;
	s10 =	sld [smem:$0x3FB6];
	_ =	sdelay $0x3  }
0x37: {  	[smem:$0x3FB6] =	sst s10  }
0x38: {  	s10 =	sld [smem:$0x3FB7]  }
0x39: {  	_ = 	snop;
	(pc) =	sbr.ind lr, $3  }
0x3a: {  	_ = 	snop  }
0x3b: {  	_ = 	snop  }
0x3c: {  	p2 =	seq.s32 s10, $0x1;
	s10 =	sld [smem:$0x3FB6]  }
0x3d: {  	_ =	shalt  }
0x3e: {  	_ =	shalt  }
0x3f: {  	_ =	shalt  }
0x40: {  	_ =	shalt  }
0x41: {  	_ =	shalt  }
0x42: {  	_ =	shalt  }
0x43: {  	_ =	shalt  }
0x44: {  	_ =	shalt  }
0x45: {  	_ =	shalt  }
0x46: {  	_ =	shalt  }
0x47: {  	_ =	shalt  }
0x48: {  	_ =	shalt  }
0x49: {  	_ =	shalt  }
0x4a: {  	_ =	shalt  }
0x4b: {  	_ =	shalt  }
0x4c: {  	_ =	shalt  }
0x4d: {  	_ =	shalt  }
0x4e: {  	_ =	shalt  }
0x4f: {  	_ =	shalt  }
0x50: {  	_ =	shalt  }
0x51: {  	_ =	shalt  }
0x52: {  	_ =	shalt  }
0x53: {  	_ =	shalt  }
0x54: {  	_ =	shalt  }
0x55: {  	_ =	shalt  }
0x56: {  	_ =	shalt  }
0x57: {  	_ =	shalt  }
0x58: {  	_ =	shalt  }
0x59: {  	_ =	shalt  }
0x5a: {  	_ =	shalt  }
0x5b: {  	_ =	shalt  }
0x5c: {  	_ =	shalt  }
0x5d: {  	_ =	shalt  }
0x5e: {  	_ =	shalt  }
0x5f: {  	_ =	shalt  }
0x60: {  	_ =	shalt  }
0x61: {  	_ =	shalt  }
0x62: {  	_ =	shalt  }
0x63: {  	_ =	shalt  }
0x64: {  	_ =	shalt  }
0x65: {  	_ =	shalt  }
0x66: {  	_ =	shalt  }
0x67: {  	_ =	shalt  }
0x68: {  	_ =	shalt  }
0x69: {  	_ =	shalt  }
0x6a: {  	_ =	shalt  }
0x6b: {  	_ =	shalt  }
0x6c: {  	_ =	shalt  }
0x6d: {  	_ =	shalt  }
0x6e: {  	_ =	shalt  }
0x6f: {  	_ =	shalt  }
0x70: {  	_ =	shalt  }
0x71: {  	_ =	shalt  }
0x72: {  	_ =	shalt  }
0x73: {  	_ =	shalt  }
0x74: {  	_ =	shalt  }
0x75: {  	_ =	shalt  }
0x76: {  	_ =	shalt  }
0x77: {  	_ =	shalt  }
0x78: {  	_ =	shalt  }
0x79: {  	_ =	shalt  }
0x7a: {  	_ =	shalt  }
0x7b: {  	_ =	shalt  }
0x7c: {  	_ =	shalt  }
0x7d: {  	_ =	shalt  }
0x7e: {  	_ =	shalt  }
0x7f: {  	_ =	shalt  }
0x80: {  	_ =	shalt  }
0x81: {  	_ =	shalt  }
0x82: {  	_ =	shalt  }
0x83: {  	_ =	shalt  }
0x84: {  	_ =	shalt  }
0x85: {  	_ =	shalt  }
0x86: {  	_ =	shalt  }
0x87: {  	_ =	shalt  }
.Lfunc_end0:
.L_simem_size_0:
called_computation_lowered:
.L_overlay_start_0:
0x88: {  	s2 =	sld [smem:$0x3FD9]  }
0x89: {  	s3 =	sld [smem:$0x3FFE];
	_ =	sdelay $0x1  }
0x8a: {  	s1 =	srdreg.scid  }
0x8b: {  	s0 =	sand.u32 $0x1, s1  }
0x8c: {  	s17 =	sshll.u32 s0, $0xA;
	s2 =	sadd.s32 s3, s2  }
0x8d: {  	s2 =	sadd.s32 s2, s17  }
0x8e: {  	[smem:$0x3FC2] =	sst s2  }
0x8f: {  	_ = 	snop  }
0x90: {  	s2 =	sld [smem:$0x3FD0];
	(tm) =	ssettm $0x1  }
0x91: {  	s18 =	sld [smem:$0x3FFB];
	_ =	sdelay $0x3  }
0x92: {  	_ =	strace s18  }
0x93: {  	s3 =	sld [smem:$0x3FFC];
	_ =	sdelay $0x3  }
0x94: {  	_ =	strace s3  }
0x95: {  	s3 =	sld [smem:$0x3FFD];
	_ =	sdelay $0x3  }
0x96: {  	_ =	strace s3  }
0x97: {  	_ =	strace $0x8FFFFFFF  }
0x98: {  	s19 =	sld [smem:$0x3FDB];
	_ =	sdelay $0x1  }
0x99: {  	s4 =	simm.s32 $_scs_section_size  }
0x9a: {  	s5 =	simm.s32 $_size__tile_overlayer_lowered;
	s6 =	simm.s32 $_tile_overlayer_lowered  }
0x9b: {  	s22 =	simm.s32 $0x1BFF;
	s21 =	sshll.u32 s6, $0x1;
	s3 =	sadd.s32 s4, s19  }
0x9c: {  	s7 =	simm.s32 $0x0;
	s20 =	sshll.u32 s5, $0x1;
	s5 =	sadd.s32 s21, s3  }
0x9d: {  	[timem:s7], [sflag:s22] =	dma.local [hbm:s5], s20  }
0x9e: {  	_ =	swait.ge [sflag:s22], s20  }
0x9f: {  	s4 =	ssub.s32 $0x0, s20;
	[sflag:s22] =	ssyncset.done $0x0  }
0xa0: {  	[sflag:s22] =	ssyncadd.s32 s4;
	_ =	sdelay $0x1  }
0xa1: {  	s23 =	simm.s32 $0x1B8B  }
0xa2: {  	_ =	swait.ge [sflag:s23], $0x1  }
0xa3: {  	[sflag:s23] =	ssyncset.done $0x0  }
0xa4: {  	s25 =	simm.s32 $0x1B8E;
	s24 =	sld [smem:$0x3FFE];
	[sflag:s23] =	ssyncadd.s32 $0xFFFFFFFF  }
0xa5: {  	s26 =	simm.s32 $execute0_lowered;
	[smem:$0x3FD2] =	sst s25  }
0xa6: {  	s5 =	sshll.u32 s26, $0x1;
	_ =	strace $0x80000046;
	[dreg:$0x1] =	wrdreg $0xFFFFFFFF  }
0xa7: {  	s28 =	simm.s32 $_size_execute0_lowered;
	s3 =	sadd.s32 s3, s5;
	[dreg:$0x0] =	wrdreg $0x0  }
0xa8: {  	s5 =	sshll.u32 s28, $0x1;
	[dreg:$0x2] =	wrdreg s3  }
0xa9: {  	[dreg:$0x3] =	wrdreg s5  }
0xaa: {  	[dreg:$0x4] =	wrdreg $0xC0  }
0xab: {  	_ =	task [dreg:s7], $0x5FFFF  }
0xac: {  	[dreg:$0x1] =	wrdreg $0xFFFFFFFF  }
0xad: {  	[dreg:$0x0] =	wrdreg $0x60  }
0xae: {  	[dreg:$0x2] =	wrdreg s24  }
0xaf: {  	[dreg:$0x3] =	wrdreg s2  }
0xb0: {  	[dreg:$0x4] =	wrdreg $0x130000  }
0xb1: {  	[dreg:$0x5] =	wrdreg $0x9  }
0xb2: {  	_ =	task.clear_ibuf [dreg:s7], $0x6FFFF;
	_ =	strace $0x90000046  }
0xb3: {  	s29 =	simm.s32 $0x9;
	_ =	strace $0x80000048  }
0xb4: {  	_ =	swait.ge [sflag:s29], $0x1  }
0xb5: {  	[sflag:s29] =	ssyncadd.s32 $0xFFFFFFFF  }
0xb6: {  	_ =	strace $0x90000048  }
0xb7: {  	_ =	sfence  }
0xb8: {  	s30 =	sld [smem:$0x0];
	_ =	sdelay $0x2  }
0xb9: {  	s31 =	sshll.u32 s1, $0xD;
	s1 =	sshrl.u32 s1, $0x2  }
0xba: {  	s3 =	sand.u32 $0x4000, s31;
	s1 =	sadd.s32 s1, s30  }
0xbb: {  	s0 =	sor.u32 s3, s0;
	s1 =	sshll.u32 s1, $0x11  }
0xbc: {  	s0 =	sor.u32 s1, s0  }
0xbd: {  	s0 =	sadd.s32 $0x8F2B, s0  }
0xbe: {  	[sflag:s0] =	ssyncadd.remote.s32 $0x1  }
0xbf: {  	_ =	sfence.sel $0xFFFF  }
0xc0: {  	[dreg:$0x0] =	wrdreg $0xFFFFFFFF;
	(pc) =	sbr.abs _section_cstart, $3  }
0xc1: {  	[dreg:$0x1] =	wrdreg $0xFFFFFFFF  }
0xc2: {  	_ =	task.clear_ibuf [dreg:s7], $0x2FFFF;
	_ =	strace $0x9FFFFFFF  }
0xc3: {  	(tm) =	ssettm $0x7FFFFFFF  }
tec
execute0_lowered:
.L_overlay_start_1:
0x0: {  	(tag) =	ssettag $0x1  }
0x1: {  	s0 =	rddreg [dreg:$0x0]  }
0x2: {  	s1 =	rddreg [dreg:$0x1]  }
0x3: {  	s2 =	rddreg [dreg:$0x2];
	s12 =	stileid.u32  }
0x4: {  	s3 =	srdreg.scid;
	s29 =	simm.s32 $0x1;
	s30 =	simm.s32 $0x3  }
0x5: {  	s31 =	simm.s32 $0x12800;
	s28 =	simm.s32 $0x6;
	s7 =	sand.u32 $0x1, s3  }
0x6: {  	s4 =	sshll.u32 s12, $0x1;
	s3 =	simm.s32 $0x0;
	s8 =	smul.u32 $0x9C40, s12  }
0x7: {  	s15 =	sshll.u32 s12, $0x6;
	s21 =	sadd.s32 $0xA9A0, s0;
	s23 =	sadd.s32 $0x13800, s1  }
0x8: {  	s17 =	sor.u32 s7, s4;
	[smem:$0x7FF] =	sst s3;
	s22 =	smul.u32 $0x5000, s7  }
0x9: {  	s6 =	ssub.s32 $0x2, s7;
	s16 =	sor.u32 $0x1C07, s15;
	s4 =	smul.u32 $0x1400, s17  }
0xa: {  	_ =	strace $0x80000047;
	s5 =	sshrl.u32 s8, $0x3;
	s10 =	sshrl.u32 s6, $0x1  }
0xb: {  	p0 =	seq.s32 s17, $0x1F;
	[dreg:$0x6] =	wrdreg s16;
	s18 =	smul.u32 $0x5000, s17  }
0xc: {  	s8 =	sadd.s32 s8, s2;
	s16 =	smul.u32 $0xA000, s12;
	[dreg:$0x9] =	wrdreg s21  }
0xd: {  	[dreg:$0xb] =	wrdreg s23;
	s23 =	simm.s32 $0x7;
	p1 =	sne.s32 s17, $0x1F  }
0xe: {  	s21 =	simm.s32 $0x2;
	s9 =	sadd.s32 s5, s0;
	s5 =	simm.s32 $0x5  }
0xf: {  	s14 =	sshrl.u32 s4, $0x3;
	s4 =	sadd.s32 $0xAC00, s0;
	s9 =	sadd.s32 $0x1E600, s9  }
0x10: {  	s24 =	sshrl.u32 s18, $0x3;
	s11 =	sadd.s32 s14, s0;
	s14 =	ssub.s32 s6, s10  }
0x11: {  	s6 =	simm.s32 $0x5;
	[dreg:$0x5] =	wrdreg s9;
	s0 =	sadd.s32 $0x5B80, s0  }
0x12: {  	s15 =	sadd.s32 s1, s24;
	s24 =	simm.s32 $0x2800;
	s6 =	simm.s32 @!p0 $0x14  }
0x13: {  	s19 =	sadd.s32 $0x5C20, s11;
	s20 =	sadd.s32 $0xE00, s11;
	[dreg:$0xa] =	wrdreg s0  }
0x14: {  	s14 =	smax.u32 s14, $0x1;
	s0 =	sadd.s32 s22, s16;
	[dreg:$0x7] =	wrdreg s19  }
0x15: {  	s16 =	sadd.s32 $0x80, s15;
	s22 =	simm.s32 $0xA800;
	[dreg:$0x8] =	wrdreg s20  }
0x16: {  	s25 =	sshll.u32 s6, $0xA;
	s26 =	sor.u32 $0x800, s0;
	s0 =	sor.u32 $0xC00, s0  }
0x17: {  	s19 =	sshrl.u32 s8, $0x3;
	s20 =	simm.s32 $0x100;
	s7 =	sand.u32 $0x5000, s25  }
0x18: {  	s9 =	sshrl.u32 s26, $0x3;
	s0 =	sshrl.u32 s0, $0x3;
	s25 =	simm.s32 $0x12C00  }
0x19: {  	s26 =	simm.s32 $0x4;
	s7 =	sadd.s32 $0xFFFFF800, s7;
	s9 =	sadd.s32 s9, s1  }
0x1a: {  	[dreg:$0x4] =	wrdreg s7;
	s7 =	sadd.s32 s0, s1;
	s0 =	simm.s32 $0x0  }
.LBB2_1:
0x1b: {  	s1 =	rddreg [dreg:$0x5]  }
0x1c: {  	s8 =	rddreg [dreg:$0x6]  }
0x1d: {  	[spmem:s19], [sflag:s8] =	dma.local [hbm:s1], $0x1388  }
0x1e: {  	s1 =	simm.s32 @p0 $0x0;
	s8 =	rddreg [dreg:$0x9]  }
0x1f: {  	[tilespmem:s1], [sflag:$0x8] =	stream.linear.gather @p0 [hbm4b:s8+s1], $0x500, $0x38;
	[tilespmem:$0x1CC40] =	vst v63  }
0x20: {  	s8 =	simm.s32 @p0 $0x8  }
0x21: {  	_ =	swait.ge @p0 [sflag:s8], $0x500  }
0x22: {  	[sflag:s8] =	ssyncset.done @p0 $0x0  }
0x23: {  	s17 =	simm.s32 @p0 $0x1400;
	s10 =	rddreg [dreg:$0xa];
	[sflag:s8] =	ssyncadd.s32 @p0 $0xFFFFFB00  }
0x24: {  	[tilespmem:s17], [sflag:$0x8] =	stream.linear.gather @p0 [hbm4b:s10+s1], $0x500, $0x38;
	[tilespmem:$0x1CC40] =	vst v63  }
0x25: {  	_ =	swait.ge @p0 [sflag:s8], $0x500  }
0x26: {  	[sflag:s8] =	ssyncset.done @p0 $0x0  }
0x27: {  	s1 =	simm.s32 @!p0 $0x0;
	[sflag:s8] =	ssyncadd.s32 @p0 $0xFFFFFB00;
	s8 =	rddreg [dreg:$0x7]  }
0x28: {  	[tilespmem:s1], [sflag:$0x8] =	stream.linear.gather @!p0 [hbm4b:s8+s1], $0x1400, $0x38;
	[tilespmem:$0x1CC40] =	vst v63  }
0x29: {  	s8 =	simm.s32 @!p0 $0x8  }
0x2a: {  	_ =	swait.ge @!p0 [sflag:s8], $0x1400  }
0x2b: {  	[sflag:s8] =	ssyncset.done @!p0 $0x0  }
0x2c: {  	s17 =	simm.s32 @!p0 $0x1400;
	s10 =	rddreg [dreg:$0x8];
	[sflag:s8] =	ssyncadd.s32 @!p0 $0xFFFFEC00  }
0x2d: {  	[tilespmem:s17], [sflag:$0x8] =	stream.linear.gather @!p0 [hbm4b:s10+s1], $0x1400, $0x38;
	[tilespmem:$0x1CC40] =	vst v63  }
0x2e: {  	_ =	swait.ge @!p0 [sflag:s8], $0x1400  }
0x2f: {  	[sflag:s8] =	ssyncset.done @!p0 $0x0  }
0x30: {  	s10 =	simm.s32 $0x1400;
	[sflag:s8] =	ssyncadd.s32 @!p0 $0xFFFFEC00  }
0x31: {  	[tilespmem:s22], [sflag:$0x3] =	stream.indirect.gather [hbm4b:s4+s20], $0x40, s10, s20, $0xb8;
	[tilespmem:$0x1CC40] =	vst v63  }
0x32: {  	_ =	swait.ge [sflag:s23], $0x1388  }
0x33: {  	[sflag:s23] =	ssyncset.done $0x0  }
0x34: {  	[sflag:s23] =	ssyncadd.s32 $0xFFFFEC78  }
0x35: {  	[bflag:$0x0] =	sbarrier.arrive $0xFFFF  }
0x36: {  	[tilespmem:s24], [sflag:$0x1] =	stream.indirect.gather [spmem:s2], $0x40, s3, s20, $0xb8;
	[tilespmem:$0x1CC40] =	vst v63  }
0x37: {  	s11 =	simm.s32 $0x6800  }
0x38: {  	[tilespmem:s11], [sflag:$0x2] =	stream.indirect.gather [spmem:s2], $0x40, s20, s20, $0xb8;
	[tilespmem:$0x1CC40] =	vst v63  }
0x39: {  	s12 =	simm.s32 $0x1500;
	s13 =	simm.s32 $0xE800  }
0x3a: {  	[tilespmem:s13], [sflag:$0x4] =	stream.indirect.gather [hbm4b:s4+s20], $0x40, s12, s20, $0xb8;
	[tilespmem:$0x1CC40] =	vst v63  }
0x3b: {  	_ =	swait.ge [sflag:s29], $0x4000  }
0x3c: {  	[sflag:s29] =	ssyncset.done $0x0  }
0x3d: {  	[sflag:s29] =	ssyncadd.s32 $0xFFFFC000  }
0x3e: {  	_ =	swait.ge [sflag:s30], $0x4000  }
0x3f: {  	[sflag:s30] =	ssyncset.done $0x0  }
0x40: {  	[sflag:s30] =	ssyncadd.s32 $0xFFFFC000  }
0x41: {  	[hbm4b:s15+s3] =	stream.linear.scatter [tilespmem:s31], [sflag:$0x5], $0x400, $0x38;
	[tilespmem:$0x1CC40] =	vst v63  }
0x42: {  	s17 =	simm.s32 $0x200  }
0x43: {  	[tilespmem:s24], [sflag:$0x1] =	stream.indirect.gather [spmem:s2], $0x40, s17, s20, $0xb8;
	[tilespmem:$0x1CC40] =	vst v63  }
0x44: {  	s18 =	simm.s32 $0x1600  }
0x45: {  	[tilespmem:s22], [sflag:$0x3] =	stream.indirect.gather [hbm4b:s4+s20], $0x40, s18, s20, $0xb8;
	[tilespmem:$0x1CC40] =	vst v63  }
0x46: {  	_ =	swait.ge [sflag:s21], $0x4000  }
0x47: {  	[sflag:s21] =	ssyncset.done $0x0  }
0x48: {  	[sflag:s21] =	ssyncadd.s32 $0xFFFFC000  }
0x49: {  	_ =	swait.ge [sflag:s26], $0x4000  }
0x4a: {  	s1 =	simm.s32 $0x4;
	s8 =	simm.s32 $0x0;
	[sflag:s26] =	ssyncset.done $0x0  }
0x4b: {  	s17 =	smov.u32 s9;
	s18 =	smov.u32 s7;
	[sflag:s26] =	ssyncadd.s32 $0xFFFFC000  }
0x4c: {  	[hbm4b:s16+s3] =	stream.linear.scatter [tilespmem:s25], [sflag:$0x6], $0x400, $0x38;
	[tilespmem:$0x1CC40] =	vst v63  }
.LBB2_2:
0x4d: {  	s10 =	sadd.s32 $0xFFFFFFFF, s1  }
0x4e: {  	p2 =	sge.u32 s10, s6  }
0x4f: {  	s10 =	sshra.s32 @!p2 s8, $0x2  }
0x50: {  	s12 =	simm.s32 @!p2 $0x100;
	s13 =	simm.s32 @!p2 $0x6800;
	s11 =	sadd.s32 @!p2 $0x300, s10  }
0x51: {  	[tilespmem:s13], [sflag:$0x2] =	stream.indirect.gather @!p2 [spmem:s2], $0x40, s11, s12, $0xb8;
	[tilespmem:$0x1CC40] =	vst v63  }
0x52: {  	s10 =	sadd.s32 @!p2 $0x1700, s10;
	s11 =	simm.s32 @!p2 $0xE800  }
0x53: {  	[tilespmem:s11], [sflag:$0x4] =	stream.indirect.gather @!p2 [hbm4b:s4+s12], $0x40, s10, s12, $0xb8;
	[tilespmem:$0x1CC40] =	vst v63  }
0x54: {  	_ =	swait.ge [sflag:s29], $0x4000  }
0x55: {  	[sflag:s29] =	ssyncset.done $0x0  }
0x56: {  	[sflag:s29] =	ssyncadd.s32 $0xFFFFC000  }
0x57: {  	_ =	swait.ge [sflag:s30], $0x4000  }
0x58: {  	[sflag:s30] =	ssyncset.done $0x0  }
0x59: {  	[sflag:s30] =	ssyncadd.s32 $0xFFFFC000  }
0x5a: {  	_ =	swait.ge [sflag:s5], $0x400  }
0x5b: {  	p2 =	sge.u32 s1, s6;
	[sflag:s5] =	ssyncset.done $0x0  }
0x5c: {  	s10 =	sshra.s32 @!p2 s8, $0x2;
	[sflag:s5] =	ssyncadd.s32 $0xFFFFFC00  }
0x5d: {  	[hbm4b:s17+s3] =	stream.linear.scatter [tilespmem:s31], [sflag:$0x5], $0x400, $0x38;
	[tilespmem:$0x1CC40] =	vst v63  }
0x5e: {  	s12 =	simm.s32 @!p2 $0x100;
	s13 =	simm.s32 @!p2 $0x2800;
	s11 =	sadd.s32 @!p2 $0x400, s10  }
0x5f: {  	[tilespmem:s13], [sflag:$0x1] =	stream.indirect.gather @!p2 [spmem:s2], $0x40, s11, s12, $0xb8;
	[tilespmem:$0x1CC40] =	vst v63  }
0x60: {  	s10 =	sadd.s32 @!p2 $0x1800, s10;
	s11 =	simm.s32 @!p2 $0xA800  }
0x61: {  	[tilespmem:s11], [sflag:$0x3] =	stream.indirect.gather @!p2 [hbm4b:s4+s12], $0x40, s10, s12, $0xb8;
	[tilespmem:$0x1CC40] =	vst v63  }
0x62: {  	_ =	swait.ge [sflag:s21], $0x4000  }
0x63: {  	[sflag:s21] =	ssyncset.done $0x0  }
0x64: {  	[sflag:s21] =	ssyncadd.s32 $0xFFFFC000  }
0x65: {  	_ =	swait.ge [sflag:s26], $0x4000  }
0x66: {  	[sflag:s26] =	ssyncset.done $0x0  }
0x67: {  	[sflag:s26] =	ssyncadd.s32 $0xFFFFC000  }
0x68: {  	_ =	swait.ge [sflag:s28], $0x400  }
0x69: {  	s8 =	sadd.s32 $0x800, s8;
	s13 =	rddreg [dreg:$0x4]  }
0x6a: {  	p2 =	sne.s32 s13, s8  }
.Ltmp0:
0x6b: {  	_ = 	snop;
	(pc) =	sbr.rel @p2 .LBB2_2-.Ltmp0, $4  }
0x6c: {  	[sflag:s28] =	ssyncset.done $0x0  }
0x6d: {  	[sflag:s28] =	ssyncadd.s32 $0xFFFFFC00  }
0x6e: {  	[hbm4b:s18+s3] =	stream.linear.scatter [tilespmem:s25], [sflag:$0x6], $0x400, $0x38;
	[tilespmem:$0x1CC40] =	vst v63  }
0x6f: {  	s1 =	sadd.s32 $0x2, s1;
	s17 =	sadd.s32 $0x100, s17;
	s18 =	sadd.s32 $0x100, s18  }
0x70: {  	s1 =	simm.s32 @!p1 $0x1  }
0x71: {  	_ =	swait.ge @!p1 [sflag:s1], $0x4000  }
0x72: {  	[sflag:s1] =	ssyncset.done @!p1 $0x0  }
0x73: {  	[sflag:s1] =	ssyncadd.s32 @!p1 $0xFFFFC000;
	s1 =	simm.s32 @!p1 $0x3  }
0x74: {  	_ =	swait.ge @!p1 [sflag:s1], $0x4000  }
0x75: {  	[sflag:s1] =	ssyncset.done @!p1 $0x0  }
0x76: {  	[sflag:s1] =	ssyncadd.s32 @!p1 $0xFFFFC000;
	s1 =	simm.s32 @!p1 $0x5  }
0x77: {  	_ =	swait.ge @!p1 [sflag:s1], $0x400  }
0x78: {  	s8 =	simm.s32 @!p1 $0x12800;
	s0 =	sadd.s32 $0x1, s0;
	[sflag:s1] =	ssyncset.done @!p1 $0x0  }
0x79: {  	s10 =	rddreg [dreg:$0xb];
	[sflag:s1] =	ssyncadd.s32 @!p1 $0xFFFFFC00;
	s1 =	simm.s32 @!p1 $0x0  }
0x7a: {  	[hbm4b:s10+s1] =	stream.linear.scatter @!p1 [tilespmem:s8], [sflag:$0x5], $0x400, $0x38;
	[tilespmem:$0x1CC40] =	vst v63  }
0x7b: {  	p2 =	sne.s32 s0, s14;
	_ =	swait.ge [sflag:s5], $0x400  }
.Ltmp1:
0x7c: {  	[sflag:s5] =	ssyncset.done $0x0;
	(pc) =	sbr.rel @p2 .LBB2_1-.Ltmp1, $4  }
0x7d: {  	[sflag:s5] =	ssyncadd.s32 $0xFFFFFC00  }
0x7e: {  	_ =	swait.ge [sflag:s28], $0x400  }
0x7f: {  	[sflag:s28] =	ssyncset.done $0x0  }
0x80: {  	[sflag:s28] =	ssyncadd.s32 $0xFFFFFC00  }
0x81: {  	_ =	sfence.sel $0x180000  }
0x82: {  	[bflag:$0x0] =	sbarrier.arrive $0xFFFF  }
0x83: {  	_ =	strace $0x90000047  }
0x84: {  	s0 =	stileid.u32;
	[bflag:$0x2] =	sbarrier.arrive $0xFFFF  }
0x85: {  	p0 =	sne.s32 s0, $0x0;
	s0 =	rddreg [dreg:$0x3]  }
0x86: {  	s0 =	sadd.s32 @!p0 $0x100000, s0  }
0x87: {  	[sflag:s0] =	ssyncadd.tile.s32 @!p0 $0x1;
	_ =	shalt  }
.Lfunc_end2:
_tile_overlayer_lowered:
.L_overlay_start_2:
0x88: {  	(tag) =	ssettag $0x2  }
0x89: {  	s0 =	rddreg [dreg:$0x0];
	s2 =	stileid.u32  }
0x8a: {  	s1 =	rddreg [dreg:$0x1];
	p0 =	sne.s32 s2, $0x0  }
0x8b: {  	s3 =	rddreg [dreg:$0x2];
	[bflag:$0x3] =	sbarrier.arrive $0xFFFF;
	s2 =	simm.s32 @!p0 $0x1C08  }
0x8c: {  	[timem:s3], [sflag:s2] =	dma.local @!p0 [hbm:s0], s1  }
0x8d: {  	s0 =	simm.s32 @!p0 $0x8  }
0x8e: {  	_ =	swait.ge @!p0 [sflag:s0], s1  }
0x8f: {  	s1 =	ssub.s32 @!p0 $0x0, s1;
	[sflag:s0] =	ssyncset.done @!p0 $0x0  }
0x90: {  	[sflag:s0] =	ssyncadd.s32 @!p0 s1  }
0x91: {  	[bflag:$0x3] =	sbarrier.arrive $0xFFFF  }
0x92: {  	_ =	shalt  }

</sc_bundles>
